<compile_context>
chip_gen: v7x
topology: tpu7x:2x2x1
jax: 0.10.2.dev20260603
libtpu: 0.0.44.dev20260713+nightly
codegen_flags: <defaults>
</compile_context>

<pallas_src>
import functools

import jax
import jax.numpy as jnp
from jax import lax
from jax.experimental import pallas as pl
from jax.experimental.pallas import tpu as pltpu
from jax.experimental.pallas import tpu_sc as plsc

_N = 10000
_E = 320000
_H = 128
_DO = 64

_NC = 2
_NS = 16
_NW = _NC * _NS
_CHUNK = 128
_K = 80
_KROWS = _NW * _K
_EPAD = _KROWS * _CHUNK
_NACC = 10112
_ZR = _NACC // _NS
_G = 40

_BR = 2000


def _sc_mesh():
    return plsc.VectorSubcoreMesh(core_axis_name="c", subcore_axis_name="s")


def _sc_degree(dstp, ones, z16):

    @functools.partial(
        pl.kernel,
        out_type=jax.ShapeDtypeStruct((_NC, _NACC, 16), jnp.float32),
        mesh=_sc_mesh(),
        scratch_types=[
            pltpu.VMEM((_K, _CHUNK), jnp.int32),
            pltpu.VMEM((_CHUNK, 16), jnp.float32),
            pltpu.VMEM_SHARED((_NACC, 16), jnp.float32),
        ],
        compiler_params=pltpu.CompilerParams(use_tc_tiling_on_sc=False),
    )
    def k(dst_hbm, ones_hbm, z_hbm, out_hbm, idx_v, ones_v, acc_sh):
        c = lax.axis_index("c")
        s = lax.axis_index("s")
        w = c * _NS + s
        pltpu.sync_copy(z_hbm.at[pl.ds(s * _ZR, _ZR)],
                        acc_sh.at[pl.ds(s * _ZR, _ZR)])
        pltpu.sync_copy(ones_hbm, ones_v)
        pltpu.sync_copy(dst_hbm.at[pl.ds(w * _K, _K)], idx_v)
        plsc.subcore_barrier()

        @pl.loop(0, _K)
        def _(j):
            pltpu.sync_copy(ones_v, acc_sh.at[idx_v.at[j]], add=True)

        plsc.subcore_barrier()
        pltpu.sync_copy(acc_sh.at[pl.ds(s * _ZR, _ZR)],
                        out_hbm.at[c, pl.ds(s * _ZR, _ZR)])

    return k(dstp, ones, z16)


def _sc_scatter(g, srcp, dstp, zD, D):

    @functools.partial(
        pl.kernel,
        out_type=jax.ShapeDtypeStruct((_NC, _NACC, D), jnp.float32),
        mesh=_sc_mesh(),
        scratch_types=[
            pltpu.VMEM((_G, _CHUNK), jnp.int32),
            pltpu.VMEM((_G, _CHUNK), jnp.int32),
            pltpu.VMEM((2, _CHUNK, D), jnp.float32),
            pltpu.VMEM_SHARED((_NACC, D), jnp.float32),
            pltpu.SemaphoreType.DMA,
            pltpu.SemaphoreType.DMA,
        ],
    )
    def k(g_hbm, src_hbm, dst_hbm, z_hbm, out_hbm, src_v, dst_v, rows_v,
          acc_sh, semg0, semg1):
        c = lax.axis_index("c")
        s = lax.axis_index("s")
        w = c * _NS + s
        pltpu.sync_copy(z_hbm.at[pl.ds(s * _ZR, _ZR)],
                        acc_sh.at[pl.ds(s * _ZR, _ZR)])
        plsc.subcore_barrier()

        r0 = rows_v.at[0]
        r1 = rows_v.at[1]

        @pl.loop(0, _K, step=_G)
        def _(q):
            pltpu.sync_copy(src_hbm.at[pl.ds(w * _K + q, _G)], src_v)
            pltpu.sync_copy(dst_hbm.at[pl.ds(w * _K + q, _G)], dst_v)
            pltpu.async_copy(g_hbm.at[src_v.at[0]], r0, semg0)

            @pl.loop(0, _G, step=2)
            def _(j):
                pltpu.async_copy(g_hbm.at[src_v.at[j + 1]], r1, semg1)
                pltpu.make_async_copy(g_hbm.at[src_v.at[j]], r0, semg0).wait()
                pltpu.sync_copy(r0, acc_sh.at[dst_v.at[j]], add=True)

                @pl.when(j + 2 < _G)
                def _():
                    pltpu.async_copy(g_hbm.at[src_v.at[j + 2]], r0, semg0)

                pltpu.make_async_copy(
                    g_hbm.at[src_v.at[j + 1]], r1, semg1).wait()
                pltpu.sync_copy(r1, acc_sh.at[dst_v.at[j + 1]], add=True)

        plsc.subcore_barrier()
        pltpu.sync_copy(acc_sh.at[pl.ds(s * _ZR, _ZR)],
                        out_hbm.at[c, pl.ds(s * _ZR, _ZR)])

    return k(g, srcp, dstp, zD)


def _tc_h1(x, W1):

    def body(x_ref, w_ref, o_ref):
        o_ref[...] = jnp.dot(x_ref[...], w_ref[...],
                             preferred_element_type=jnp.float32,
                             precision=lax.Precision.HIGHEST)

    return pl.pallas_call(
        body,
        grid=(_N // _BR,),
        out_shape=jax.ShapeDtypeStruct((_N, _H), jnp.float32),
        in_specs=[
            pl.BlockSpec((_BR, _H), lambda i: (i, 0)),
            pl.BlockSpec((_H, _H), lambda i: (0, 0)),
        ],
        out_specs=pl.BlockSpec((_BR, _H), lambda i: (i, 0)),
    )(x, W1)


def _tc_prep(degp, h1):

    def body(p_ref, h_ref, d_ref, g_ref):
        i = pl.program_id(0)
        deg = p_ref[0, :, :1] + p_ref[1, :, :1] + 1.0
        d = lax.rsqrt(deg[:_BR, :])
        d_ref[...] = d
        g_ref[...] = h_ref[...] * d

    return pl.pallas_call(
        body,
        grid=(_N // _BR,),
        out_shape=[
            jax.ShapeDtypeStruct((_N, 1), jnp.float32),
            jax.ShapeDtypeStruct((_N, _H), jnp.float32),
        ],
        in_specs=[
            pl.BlockSpec((_NC, _BR, 16), lambda i: (0, i, 0)),
            pl.BlockSpec((_BR, _H), lambda i: (i, 0)),
        ],
        out_specs=[
            pl.BlockSpec((_BR, 1), lambda i: (i, 0)),
            pl.BlockSpec((_BR, _H), lambda i: (i, 0)),
        ],
    )(degp, h1)


def _tc_layer(p, g, d, b, W, dout):
    din = g.shape[1]

    def body(p_ref, g_ref, d_ref, b_ref, w_ref, o_ref):
        ssum = p_ref[0] + p_ref[1] + g_ref[...]
        z = jnp.maximum(d_ref[...] * ssum + b_ref[...], 0.0)
        o_ref[...] = jnp.dot(z, w_ref[...], preferred_element_type=jnp.float32,
                             precision=lax.Precision.HIGHEST) * d_ref[...]

    return pl.pallas_call(
        body,
        grid=(_N // _BR,),
        out_shape=jax.ShapeDtypeStruct((_N, dout), jnp.float32),
        in_specs=[
            pl.BlockSpec((_NC, _BR, din), lambda i: (0, i, 0)),
            pl.BlockSpec((_BR, din), lambda i: (i, 0)),
            pl.BlockSpec((_BR, 1), lambda i: (i, 0)),
            pl.BlockSpec((1, din), lambda i: (0, 0)),
            pl.BlockSpec((din, dout), lambda i: (0, 0)),
        ],
        out_specs=pl.BlockSpec((_BR, dout), lambda i: (i, 0)),
    )(p, g, d, b, W)


def _tc_final(p, g, d, b):

    def body(p_ref, g_ref, d_ref, b_ref, o_ref):
        e = d_ref[...] * (p_ref[0] + p_ref[1] + g_ref[...]) + b_ref[...]
        n2 = jnp.sum(e * e, axis=1, keepdims=True)
        o_ref[...] = (e * lax.rsqrt(jnp.maximum(n2, 1e-24)))[:, :_DO]

    return pl.pallas_call(
        body,
        grid=(_N // _BR,),
        out_shape=jax.ShapeDtypeStruct((_N, _DO), jnp.float32),
        in_specs=[
            pl.BlockSpec((_NC, _BR, _H), lambda i: (0, i, 0)),
            pl.BlockSpec((_BR, _H), lambda i: (i, 0)),
            pl.BlockSpec((_BR, 1), lambda i: (i, 0)),
            pl.BlockSpec((1, _H), lambda i: (0, 0)),
        ],
        out_specs=pl.BlockSpec((_BR, _DO), lambda i: (i, 0)),
    )(p, g, d, b)


def kernel(x, edge_index, W1, b1, W2, b2, W3, b3):
    src = edge_index[0]
    dst = edge_index[1]
    pad = _EPAD - _E
    pad_iota = jnp.arange(pad, dtype=jnp.int32)
    erows = _E // _CHUNK
    srcp = jnp.concatenate(
        [src.reshape(erows, _CHUNK),
         (pad_iota % _N).reshape(_KROWS - erows, _CHUNK)], axis=0)
    dstp = jnp.concatenate(
        [dst.reshape(erows, _CHUNK),
         (_N + pad_iota % (_NACC - _N)).reshape(_KROWS - erows, _CHUNK)],
        axis=0)
    ones16 = jnp.ones((_CHUNK, 16), jnp.float32)
    z16 = jnp.zeros((_NACC, 16), jnp.float32)
    z128 = jnp.zeros((_NACC, _H), jnp.float32)
    W3p = jnp.concatenate([W3, jnp.zeros((_H, _H - _DO), jnp.float32)], axis=1)
    b3p = jnp.concatenate([b3, jnp.zeros((_H - _DO,), jnp.float32)])

    h1 = _tc_h1(x, W1)
    degp = _sc_degree(dstp, ones16, z16)
    d, g1 = _tc_prep(degp, h1)
    p1 = _sc_scatter(g1, srcp, dstp, z128, _H)
    g2 = _tc_layer(p1, g1, d, b1.reshape(1, _H), W2, _H)
    p2 = _sc_scatter(g2, srcp, dstp, z128, _H)
    g3 = _tc_layer(p2, g2, d, b2.reshape(1, _H), W3p, _H)
    p3 = _sc_scatter(g3, srcp, dstp, z128, _H)
    return _tc_final(p3, g3, d, b3p.reshape(1, _H))

# --- scband reference (transcript-rebuilt; emitter-appended) ---
"""Pipeline reference for scband-simple-gcn-36747740184680 (READ-ONLY COPY).

The authoritative reference and input builder live on the scoring server;
editing this copy changes nothing except your own understanding.
"""

import jax, jax.numpy as jnp
import numpy as np

N, E, D_IN, H, D_OUT = 10000, 320000, 128, 128, 64


def setup_inputs(seed: int = 0) -> dict:
    key = jax.random.key(seed)
    ks = jax.random.split(key, 8)
    x = jax.random.normal(ks[0], (N, D_IN), dtype=jnp.float32)
    edge_index = jax.random.randint(ks[1], (2, E), 0, N, dtype=jnp.int32)
    W1 = jax.random.normal(ks[2], (D_IN, H), dtype=jnp.float32) * 0.05
    b1 = jnp.zeros((H,), dtype=jnp.float32)
    W2 = jax.random.normal(ks[3], (H, H), dtype=jnp.float32) * 0.05
    b2 = jnp.zeros((H,), dtype=jnp.float32)
    W3 = jax.random.normal(ks[4], (H, D_OUT), dtype=jnp.float32) * 0.05
    b3 = jnp.zeros((D_OUT,), dtype=jnp.float32)
    return {"x": x, "edge_index": edge_index, "W1": W1, "b1": b1, "W2": W2, "b2": b2, "W3": W3, "b3": b3}


def _gcn_conv(x, src, dst, norm, W, b):
    h = x @ W
    msg = h[src] * norm[:, None]
    out = jax.ops.segment_sum(msg, dst, num_segments=N)
    return out + b


def reference(x, edge_index, W1, b1, W2, b2, W3, b3):
    # GCN normalization with added self-loops (PyG GCNConv default)
    loop = jnp.arange(N, dtype=edge_index.dtype)
    src = jnp.concatenate([edge_index[0], loop])
    dst = jnp.concatenate([edge_index[1], loop])
    ones = jnp.ones(src.shape[0], dtype=jnp.float32)
    deg = jax.ops.segment_sum(ones, dst, num_segments=N)
    dinv = jnp.where(deg > 0, 1.0 / jnp.sqrt(deg), 0.0)
    norm = dinv[src] * dinv[dst]

    h = _gcn_conv(x, src, dst, norm, W1, b1)
    h = jax.nn.relu(h)
    # dropout p=0.3 is identity in eval mode
    h = _gcn_conv(h, src, dst, norm, W2, b2)
    h = jax.nn.relu(h)
    h = _gcn_conv(h, src, dst, norm, W3, b3)
    # F.normalize(x, p=2, dim=1)
    l2 = jnp.sqrt(jnp.sum(h * h, axis=1, keepdims=True))
    emb = h / jnp.maximum(l2, 1e-12)
    return emb

if __name__ == "__main__":
    import jax
    _d = setup_inputs()
    print(jax.jit(kernel)(*tuple(_d.values())))

</pallas_src>

<mosaic_0001>
#map = affine_map<(d0, d1) -> (0, 0)>
#map1 = affine_map<(d0, d1) -> (0, 0, 0)>
module attributes {stable_mosaic.version = 14 : i64} {
  func.func @k(%arg0: i32, %arg1: i32, %arg2: memref<2560x128xi32, #tpu.memory_space<hbm>>, %arg3: memref<128x16xf32, #tpu.memory_space<hbm>>, %arg4: memref<10112x16xf32, #tpu.memory_space<hbm>>, %arg5: memref<2x10112x16xf32, #tpu.memory_space<hbm>>, %arg6: memref<80x128xi32, #tpu.memory_space<vmem>>, %arg7: memref<128x16xf32, #tpu.memory_space<vmem>>, %arg8: memref<10112x16xf32, #tpu.memory_space<vmem_shared>>) attributes {dimension_semantics = [#tpu.dimension_semantics<core_parallel>, #tpu.dimension_semantics<subcore_parallel>], iteration_bounds = array<i64: 2, 16>, scalar_prefetch = 0 : i64, scratch_operands = 3 : i64, tpu.core_type = #tpu.core_type<sc_vector_subcore>, window_params = [{transform_indices = #map}, {transform_indices = #map}, {transform_indices = #map}, {transform_indices = #map1}]} {
    %mul3A = arith.constant 16 : i32
    %mul3A_0 = arith.muli %arg0, %mul3A : i32
    %add3A = arith.addi %mul3A_0, %arg1 : i32
    %mul3A_1 = arith.constant 632 : i32
    %mul3A_2 = arith.muli %arg1, %mul3A_1 : i32
    %mul3A_3 = arith.constant 632 : i32
    %mul3A_4 = arith.muli %arg1, %mul3A_3 : i32
    "tpu.region"() ({
      %run_scoped3A = tpu.sem_alloc : memref<!tpu.dma_semaphore, #tpu.memory_space<semaphore_mem>>
      %dma_start3A = arith.constant 0 : i32
      %dma_start3A_16 = tpu.memref_slice %arg8[%mul3A_4, %dma_start3A] : memref<10112x16xf32, #tpu.memory_space<vmem_shared>> -> memref<632x16xf32, #tpu.memory_space<vmem_shared>>
      %dma_start3A_17 = arith.constant 0 : i32
      %dma_start3A_18 = tpu.memref_slice %arg4[%mul3A_2, %dma_start3A_17] : memref<10112x16xf32, #tpu.memory_space<hbm>> -> memref<632x16xf32, #tpu.memory_space<hbm>>
      tpu.enqueue_dma source(%dma_start3A_18 : memref<632x16xf32, #tpu.memory_space<hbm>>) target(%dma_start3A_16 : memref<632x16xf32, #tpu.memory_space<vmem_shared>>) target_semaphore(%run_scoped3A : memref<!tpu.dma_semaphore, #tpu.memory_space<semaphore_mem>>)
      %dma_wait3A = arith.constant 0 : i32
      %dma_wait3A_19 = tpu.memref_slice %arg8[%mul3A_4, %dma_wait3A] : memref<10112x16xf32, #tpu.memory_space<vmem_shared>> -> memref<632x16xf32, #tpu.memory_space<vmem_shared>>
      %dma_wait3A_20 = arith.constant 0 : i32
      %dma_wait3A_21 = tpu.memref_slice %arg4[%mul3A_2, %dma_wait3A_20] : memref<10112x16xf32, #tpu.memory_space<hbm>> -> memref<632x16xf32, #tpu.memory_space<hbm>>
      tpu.wait_dma2 semaphore(%run_scoped3A : memref<!tpu.dma_semaphore, #tpu.memory_space<semaphore_mem>>) src(%dma_wait3A_21 : memref<632x16xf32, #tpu.memory_space<hbm>>) dst(%dma_wait3A_19 : memref<632x16xf32, #tpu.memory_space<vmem_shared>>)
      tpu.yield
    }) : () -> ()
    "tpu.region"() ({
      %run_scoped3A = tpu.sem_alloc : memref<!tpu.dma_semaphore, #tpu.memory_space<semaphore_mem>>
      tpu.enqueue_dma source(%arg3 : memref<128x16xf32, #tpu.memory_space<hbm>>) target(%arg7 : memref<128x16xf32, #tpu.memory_space<vmem>>) target_semaphore(%run_scoped3A : memref<!tpu.dma_semaphore, #tpu.memory_space<semaphore_mem>>)
      tpu.wait_dma2 semaphore(%run_scoped3A : memref<!tpu.dma_semaphore, #tpu.memory_space<semaphore_mem>>) src(%arg3 : memref<128x16xf32, #tpu.memory_space<hbm>>) dst(%arg7 : memref<128x16xf32, #tpu.memory_space<vmem>>)
      tpu.yield
    }) : () -> ()
    %mul3A_5 = arith.constant 80 : i32
    %mul3A_6 = arith.muli %add3A, %mul3A_5 : i32
    "tpu.region"() ({
      %run_scoped3A = tpu.sem_alloc : memref<!tpu.dma_semaphore, #tpu.memory_space<semaphore_mem>>
      %dma_start3A = arith.constant 0 : i32
      %dma_start3A_16 = tpu.memref_slice %arg2[%mul3A_6, %dma_start3A] : memref<2560x128xi32, #tpu.memory_space<hbm>> -> memref<80x128xi32, #tpu.memory_space<hbm>>
      %dma_start3A_17 = arith.constant 0 : i32
      %dma_start3A_18 = tpu.memref_slice %arg2[%mul3A_6, %dma_start3A_17] : memref<2560x128xi32, #tpu.memory_space<hbm>> -> memref<80x128xi32, #tpu.memory_space<hbm>>
      tpu.enqueue_dma source(%dma_start3A_18 : memref<80x128xi32, #tpu.memory_space<hbm>>) target(%arg6 : memref<80x128xi32, #tpu.memory_space<vmem>>) target_semaphore(%run_scoped3A : memref<!tpu.dma_semaphore, #tpu.memory_space<semaphore_mem>>)
      %dma_wait3A = arith.constant 0 : i32
      %dma_wait3A_19 = tpu.memref_slice %arg2[%mul3A_6, %dma_wait3A] : memref<2560x128xi32, #tpu.memory_space<hbm>> -> memref<80x128xi32, #tpu.memory_space<hbm>>
      %dma_wait3A_20 = arith.constant 0 : i32
      %dma_wait3A_21 = tpu.memref_slice %arg2[%mul3A_6, %dma_wait3A_20] : memref<2560x128xi32, #tpu.memory_space<hbm>> -> memref<80x128xi32, #tpu.memory_space<hbm>>
      tpu.wait_dma2 semaphore(%run_scoped3A : memref<!tpu.dma_semaphore, #tpu.memory_space<semaphore_mem>>) src(%dma_wait3A_21 : memref<80x128xi32, #tpu.memory_space<hbm>>) dst(%arg6 : memref<80x128xi32, #tpu.memory_space<vmem>>)
      tpu.yield
    }) : () -> ()
    %barrier3A = arith.constant 0 : index
    tpu.barrier barrier_id(%barrier3A)
    %scan3A = arith.constant 0 : i32
    %scan3A_7 = arith.constant 80 : i32
    %scan3A_8 = arith.addi %scan3A, %scan3A_7 : i32
    %scan3A_9 = arith.constant 1 : i32
    scf.for %scan3A_16 = %scan3A to %scan3A_8 step %scan3A_9  : i32 {
      %mul3A_17 = arith.constant 1 : i32
      %mul3A_18 = arith.muli %scan3A_16, %mul3A_17 : i32
      %add3A_19 = arith.constant 0 : i32
      %add3A_20 = arith.addi %add3A_19, %mul3A_18 : i32
      "tpu.region"() ({
        %run_scoped3A = tpu.sem_alloc : memref<!tpu.dma_semaphore, #tpu.memory_space<semaphore_mem>>
        %dma_start3A = arith.constant 0 : i32
        %dma_start3A_21 = tpu.memref_slice %arg6[%add3A_20, %dma_start3A] : memref<80x128xi32, #tpu.memory_space<vmem>> -> memref<1x128xi32, #tpu.memory_space<vmem>>
        %dma_start3A_22 = tpu.memref_squeeze %dma_start3A_21 : memref<1x128xi32, #tpu.memory_space<vmem>> -> memref<128xi32, #tpu.memory_space<vmem>>
        %dma_start3A_23 = arith.constant 0 : i32
        %dma_start3A_24 = arith.constant 0 : i32
        %dma_start3A_25 = tpu.memref_slice %arg8[%dma_start3A_23, %dma_start3A_24] : memref<10112x16xf32, #tpu.memory_space<vmem_shared>> -> memref<10112x16xf32, #tpu.memory_space<vmem_shared>>
        tpu.enqueue_indirect_dma source(%arg7 : memref<128x16xf32, #tpu.memory_space<vmem>>) target(%dma_start3A_25 : memref<10112x16xf32, #tpu.memory_space<vmem_shared>>) offsets(%dma_start3A_22 : memref<128xi32, #tpu.memory_space<vmem>>) semaphore(%run_scoped3A : memref<!tpu.dma_semaphore, #tpu.memory_space<semaphore_mem>>) {add = true}
        %dma_wait3A = arith.constant 0 : i32
        %dma_wait3A_26 = tpu.memref_slice %arg6[%add3A_20, %dma_wait3A] : memref<80x128xi32, #tpu.memory_space<vmem>> -> memref<1x128xi32, #tpu.memory_space<vmem>>
        %dma_wait3A_27 = tpu.memref_squeeze %dma_wait3A_26 : memref<1x128xi32, #tpu.memory_space<vmem>> -> memref<128xi32, #tpu.memory_space<vmem>>
        %dma_wait3A_28 = arith.constant 0 : i32
        %dma_wait3A_29 = arith.constant 0 : i32
        %dma_wait3A_30 = tpu.memref_slice %arg8[%dma_wait3A_28, %dma_wait3A_29] : memref<10112x16xf32, #tpu.memory_space<vmem_shared>> -> memref<10112x16xf32, #tpu.memory_space<vmem_shared>>
        tpu.wait_indirect_dma semaphore(%run_scoped3A : memref<!tpu.dma_semaphore, #tpu.memory_space<semaphore_mem>>) src(%arg7 : memref<128x16xf32, #tpu.memory_space<vmem>>) dst(%dma_wait3A_30 : memref<10112x16xf32, #tpu.memory_space<vmem_shared>>)
        tpu.yield
      }) : () -> ()
    }
    %scan3A_10 = arith.constant 80 : i32
    %barrier3A_11 = arith.constant 0 : index
    tpu.barrier barrier_id(%barrier3A_11)
    %mul3A_12 = arith.constant 632 : i32
    %mul3A_13 = arith.muli %arg1, %mul3A_12 : i32
    %mul3A_14 = arith.constant 632 : i32
    %mul3A_15 = arith.muli %arg1, %mul3A_14 : i32
    "tpu.region"() ({
      %run_scoped3A = tpu.sem_alloc : memref<!tpu.dma_semaphore, #tpu.memory_space<semaphore_mem>>
      %dma_start3A = arith.constant 0 : i32
      %dma_start3A_16 = tpu.memref_slice %arg5[%arg0, %mul3A_15, %dma_start3A] : memref<2x10112x16xf32, #tpu.memory_space<hbm>> -> memref<1x632x16xf32, #tpu.memory_space<hbm>>
      %dma_start3A_17 = tpu.memref_squeeze %dma_start3A_16 : memref<1x632x16xf32, #tpu.memory_space<hbm>> -> memref<632x16xf32, #tpu.memory_space<hbm>>
      %dma_start3A_18 = arith.constant 0 : i32
      %dma_start3A_19 = tpu.memref_slice %arg8[%mul3A_13, %dma_start3A_18] : memref<10112x16xf32, #tpu.memory_space<vmem_shared>> -> memref<632x16xf32, #tpu.memory_space<vmem_shared>>
      tpu.enqueue_dma source(%dma_start3A_19 : memref<632x16xf32, #tpu.memory_space<vmem_shared>>) target(%dma_start3A_17 : memref<632x16xf32, #tpu.memory_space<hbm>>) target_semaphore(%run_scoped3A : memref<!tpu.dma_semaphore, #tpu.memory_space<semaphore_mem>>)
      %dma_wait3A = arith.constant 0 : i32
      %dma_wait3A_20 = tpu.memref_slice %arg5[%arg0, %mul3A_15, %dma_wait3A] : memref<2x10112x16xf32, #tpu.memory_space<hbm>> -> memref<1x632x16xf32, #tpu.memory_space<hbm>>
      %dma_wait3A_21 = tpu.memref_squeeze %dma_wait3A_20 : memref<1x632x16xf32, #tpu.memory_space<hbm>> -> memref<632x16xf32, #tpu.memory_space<hbm>>
      %dma_wait3A_22 = arith.constant 0 : i32
      %dma_wait3A_23 = tpu.memref_slice %arg8[%mul3A_13, %dma_wait3A_22] : memref<10112x16xf32, #tpu.memory_space<vmem_shared>> -> memref<632x16xf32, #tpu.memory_space<vmem_shared>>
      tpu.wait_dma2 semaphore(%run_scoped3A : memref<!tpu.dma_semaphore, #tpu.memory_space<semaphore_mem>>) src(%dma_wait3A_23 : memref<632x16xf32, #tpu.memory_space<vmem_shared>>) dst(%dma_wait3A_21 : memref<632x16xf32, #tpu.memory_space<hbm>>)
      tpu.yield
    }) : () -> ()
    return
  }
}

#map = affine_map<(d0, d1) -> (0, 0)>
#map1 = affine_map<(d0, d1) -> (0, 0, 0)>
module attributes {stable_mosaic.version = 14 : i64} {
  func.func @k(%arg0: i32, %arg1: i32, %arg2: memref<10000x128xf32, #tpu.memory_space<hbm>>, %arg3: memref<2560x128xi32, #tpu.memory_space<hbm>>, %arg4: memref<2560x128xi32, #tpu.memory_space<hbm>>, %arg5: memref<10112x128xf32, #tpu.memory_space<hbm>>, %arg6: memref<2x10112x128xf32, #tpu.memory_space<hbm>>, %arg7: memref<40x128xi32, #tpu.memory_space<vmem>>, %arg8: memref<40x128xi32, #tpu.memory_space<vmem>>, %arg9: memref<2x128x128xf32, #tpu.memory_space<vmem>>, %arg10: memref<10112x128xf32, #tpu.memory_space<vmem_shared>>, %arg11: memref<!tpu.dma_semaphore, #tpu.memory_space<semaphore_mem>>, %arg12: memref<!tpu.dma_semaphore, #tpu.memory_space<semaphore_mem>>) attributes {dimension_semantics = [#tpu.dimension_semantics<core_parallel>, #tpu.dimension_semantics<subcore_parallel>], iteration_bounds = array<i64: 2, 16>, scalar_prefetch = 0 : i64, scratch_operands = 6 : i64, tpu.core_type = #tpu.core_type<sc_vector_subcore>, window_params = [{transform_indices = #map}, {transform_indices = #map}, {transform_indices = #map}, {transform_indices = #map}, {transform_indices = #map1}]} {
    %mul3A = arith.constant 16 : i32
    %mul3A_0 = arith.muli %arg0, %mul3A : i32
    %add3A = arith.addi %mul3A_0, %arg1 : i32
    %mul3A_1 = arith.constant 632 : i32
    %mul3A_2 = arith.muli %arg1, %mul3A_1 : i32
    %mul3A_3 = arith.constant 632 : i32
    %mul3A_4 = arith.muli %arg1, %mul3A_3 : i32
    "tpu.region"() ({
      %run_scoped3A = tpu.sem_alloc : memref<!tpu.dma_semaphore, #tpu.memory_space<semaphore_mem>>
      %dma_start3A = arith.constant 0 : i32
      %dma_start3A_16 = tpu.memref_slice %arg10[%mul3A_4, %dma_start3A] : memref<10112x128xf32, #tpu.memory_space<vmem_shared>> -> memref<632x128xf32, #tpu.memory_space<vmem_shared>>
      %dma_start3A_17 = arith.constant 0 : i32
      %dma_start3A_18 = tpu.memref_slice %arg5[%mul3A_2, %dma_start3A_17] : memref<10112x128xf32, #tpu.memory_space<hbm>> -> memref<632x128xf32, #tpu.memory_space<hbm>>
      tpu.enqueue_dma source(%dma_start3A_18 : memref<632x128xf32, #tpu.memory_space<hbm>>) target(%dma_start3A_16 : memref<632x128xf32, #tpu.memory_space<vmem_shared>>) target_semaphore(%run_scoped3A : memref<!tpu.dma_semaphore, #tpu.memory_space<semaphore_mem>>)
      %dma_wait3A = arith.constant 0 : i32
      %dma_wait3A_19 = tpu.memref_slice %arg10[%mul3A_4, %dma_wait3A] : memref<10112x128xf32, #tpu.memory_space<vmem_shared>> -> memref<632x128xf32, #tpu.memory_space<vmem_shared>>
      %dma_wait3A_20 = arith.constant 0 : i32
      %dma_wait3A_21 = tpu.memref_slice %arg5[%mul3A_2, %dma_wait3A_20] : memref<10112x128xf32, #tpu.memory_space<hbm>> -> memref<632x128xf32, #tpu.memory_space<hbm>>
      tpu.wait_dma2 semaphore(%run_scoped3A : memref<!tpu.dma_semaphore, #tpu.memory_space<semaphore_mem>>) src(%dma_wait3A_21 : memref<632x128xf32, #tpu.memory_space<hbm>>) dst(%dma_wait3A_19 : memref<632x128xf32, #tpu.memory_space<vmem_shared>>)
      tpu.yield
    }) : () -> ()
    %barrier3A = arith.constant 0 : index
    tpu.barrier barrier_id(%barrier3A)
    %scan3A = arith.constant 0 : i32
    %scan3A_5 = arith.constant 1 : i32
    %scan3A_6 = arith.constant 0 : i32
    %scan3A_7 = arith.constant 2 : i32
    %scan3A_8 = arith.addi %scan3A_6, %scan3A_7 : i32
    %scan3A_9 = arith.constant 1 : i32
    scf.for %scan3A_16 = %scan3A_6 to %scan3A_8 step %scan3A_9  : i32 {
      %mul3A_17 = arith.constant 40 : i32
      %mul3A_18 = arith.muli %scan3A_16, %mul3A_17 : i32
      %add3A_19 = arith.constant 0 : i32
      %add3A_20 = arith.addi %add3A_19, %mul3A_18 : i32
      %mul3A_21 = arith.constant 80 : i32
      %mul3A_22 = arith.muli %add3A, %mul3A_21 : i32
      %add3A_23 = arith.addi %mul3A_22, %add3A_20 : i32
      "tpu.region"() ({
        %run_scoped3A = tpu.sem_alloc : memref<!tpu.dma_semaphore, #tpu.memory_space<semaphore_mem>>
        %dma_start3A_42 = arith.constant 0 : i32
        %dma_start3A_43 = tpu.memref_slice %arg3[%add3A_23, %dma_start3A_42] : memref<2560x128xi32, #tpu.memory_space<hbm>> -> memref<40x128xi32, #tpu.memory_space<hbm>>
        %dma_start3A_44 = arith.constant 0 : i32
        %dma_start3A_45 = tpu.memref_slice %arg3[%add3A_23, %dma_start3A_44] : memref<2560x128xi32, #tpu.memory_space<hbm>> -> memref<40x128xi32, #tpu.memory_space<hbm>>
        tpu.enqueue_dma source(%dma_start3A_45 : memref<40x128xi32, #tpu.memory_space<hbm>>) target(%arg7 : memref<40x128xi32, #tpu.memory_space<vmem>>) target_semaphore(%run_scoped3A : memref<!tpu.dma_semaphore, #tpu.memory_space<semaphore_mem>>)
        %dma_wait3A = arith.constant 0 : i32
        %dma_wait3A_46 = tpu.memref_slice %arg3[%add3A_23, %dma_wait3A] : memref<2560x128xi32, #tpu.memory_space<hbm>> -> memref<40x128xi32, #tpu.memory_space<hbm>>
        %dma_wait3A_47 = arith.constant 0 : i32
        %dma_wait3A_48 = tpu.memref_slice %arg3[%add3A_23, %dma_wait3A_47] : memref<2560x128xi32, #tpu.memory_space<hbm>> -> memref<40x128xi32, #tpu.memory_space<hbm>>
        tpu.wait_dma2 semaphore(%run_scoped3A : memref<!tpu.dma_semaphore, #tpu.memory_space<semaphore_mem>>) src(%dma_wait3A_48 : memref<40x128xi32, #tpu.memory_space<hbm>>) dst(%arg7 : memref<40x128xi32, #tpu.memory_space<vmem>>)
        tpu.yield
      }) : () -> ()
      %mul3A_24 = arith.constant 80 : i32
      %mul3A_25 = arith.muli %add3A, %mul3A_24 : i32
      %add3A_26 = arith.addi %mul3A_25, %add3A_20 : i32
      "tpu.region"() ({
        %run_scoped3A = tpu.sem_alloc : memref<!tpu.dma_semaphore, #tpu.memory_space<semaphore_mem>>
        %dma_start3A_42 = arith.constant 0 : i32
        %dma_start3A_43 = tpu.memref_slice %arg4[%add3A_26, %dma_start3A_42] : memref<2560x128xi32, #tpu.memory_space<hbm>> -> memref<40x128xi32, #tpu.memory_space<hbm>>
        %dma_start3A_44 = arith.constant 0 : i32
        %dma_start3A_45 = tpu.memref_slice %arg4[%add3A_26, %dma_start3A_44] : memref<2560x128xi32, #tpu.memory_space<hbm>> -> memref<40x128xi32, #tpu.memory_space<hbm>>
        tpu.enqueue_dma source(%dma_start3A_45 : memref<40x128xi32, #tpu.memory_space<hbm>>) target(%arg8 : memref<40x128xi32, #tpu.memory_space<vmem>>) target_semaphore(%run_scoped3A : memref<!tpu.dma_semaphore, #tpu.memory_space<semaphore_mem>>)
        %dma_wait3A = arith.constant 0 : i32
        %dma_wait3A_46 = tpu.memref_slice %arg4[%add3A_26, %dma_wait3A] : memref<2560x128xi32, #tpu.memory_space<hbm>> -> memref<40x128xi32, #tpu.memory_space<hbm>>
        %dma_wait3A_47 = arith.constant 0 : i32
        %dma_wait3A_48 = tpu.memref_slice %arg4[%add3A_26, %dma_wait3A_47] : memref<2560x128xi32, #tpu.memory_space<hbm>> -> memref<40x128xi32, #tpu.memory_space<hbm>>
        tpu.wait_dma2 semaphore(%run_scoped3A : memref<!tpu.dma_semaphore, #tpu.memory_space<semaphore_mem>>) src(%dma_wait3A_48 : memref<40x128xi32, #tpu.memory_space<hbm>>) dst(%arg8 : memref<40x128xi32, #tpu.memory_space<vmem>>)
        tpu.yield
      }) : () -> ()
      %dma_start3A = arith.constant 0 : i32
      %dma_start3A_27 = arith.constant 0 : i32
      %dma_start3A_28 = arith.constant 0 : i32
      %dma_start3A_29 = tpu.memref_slice %arg9[%scan3A, %dma_start3A_27, %dma_start3A_28] : memref<2x128x128xf32, #tpu.memory_space<vmem>> -> memref<1x128x128xf32, #tpu.memory_space<vmem>>
      %dma_start3A_30 = tpu.memref_squeeze %dma_start3A_29 : memref<1x128x128xf32, #tpu.memory_space<vmem>> -> memref<128x128xf32, #tpu.memory_space<vmem>>
      %dma_start3A_31 = arith.constant 0 : i32
      %dma_start3A_32 = tpu.memref_slice %arg7[%dma_start3A, %dma_start3A_31] : memref<40x128xi32, #tpu.memory_space<vmem>> -> memref<1x128xi32, #tpu.memory_space<vmem>>
      %dma_start3A_33 = tpu.memref_squeeze %dma_start3A_32 : memref<1x128xi32, #tpu.memory_space<vmem>> -> memref<128xi32, #tpu.memory_space<vmem>>
      %dma_start3A_34 = arith.constant 0 : i32
      %dma_start3A_35 = arith.constant 0 : i32
      %dma_start3A_36 = tpu.memref_slice %arg2[%dma_start3A_34, %dma_start3A_35] : memref<10000x128xf32, #tpu.memory_space<hbm>> -> memref<10000x128xf32, #tpu.memory_space<hbm>>
      tpu.enqueue_indirect_dma source(%dma_start3A_36 : memref<10000x128xf32, #tpu.memory_space<hbm>>) target(%dma_start3A_30 : memref<128x128xf32, #tpu.memory_space<vmem>>) offsets(%dma_start3A_33 : memref<128xi32, #tpu.memory_space<vmem>>) semaphore(%arg11 : memref<!tpu.dma_semaphore, #tpu.memory_space<semaphore_mem>>)
      %scan3A_37 = arith.constant 0 : i32
      %scan3A_38 = arith.constant 20 : i32
      %scan3A_39 = arith.addi %scan3A_37, %scan3A_38 : i32
      %scan3A_40 = arith.constant 1 : i32
      scf.for %scan3A_42 = %scan3A_37 to %scan3A_39 step %scan3A_40  : i32 {
        %mul3A_43 = arith.constant 2 : i32
        %mul3A_44 = arith.muli %scan3A_42, %mul3A_43 : i32
        %add3A_45 = arith.constant 0 : i32
        %add3A_46 = arith.addi %add3A_45, %mul3A_44 : i32
        %add3A_47 = arith.constant 1 : i32
        %add3A_48 = arith.addi %add3A_46, %add3A_47 : i32
        %dma_start3A_49 = arith.constant 0 : i32
        %dma_start3A_50 = arith.constant 0 : i32
        %dma_start3A_51 = tpu.memref_slice %arg9[%scan3A_5, %dma_start3A_49, %dma_start3A_50] : memref<2x128x128xf32, #tpu.memory_space<vmem>> -> memref<1x128x128xf32, #tpu.memory_space<vmem>>
        %dma_start3A_52 = tpu.memref_squeeze %dma_start3A_51 : memref<1x128x128xf32, #tpu.memory_space<vmem>> -> memref<128x128xf32, #tpu.memory_space<vmem>>
        %dma_start3A_53 = arith.constant 0 : i32
        %dma_start3A_54 = tpu.memref_slice %arg7[%add3A_48, %dma_start3A_53] : memref<40x128xi32, #tpu.memory_space<vmem>> -> memref<1x128xi32, #tpu.memory_space<vmem>>
        %dma_start3A_55 = tpu.memref_squeeze %dma_start3A_54 : memref<1x128xi32, #tpu.memory_space<vmem>> -> memref<128xi32, #tpu.memory_space<vmem>>
        %dma_start3A_56 = arith.constant 0 : i32
        %dma_start3A_57 = arith.constant 0 : i32
        %dma_start3A_58 = tpu.memref_slice %arg2[%dma_start3A_56, %dma_start3A_57] : memref<10000x128xf32, #tpu.memory_space<hbm>> -> memref<10000x128xf32, #tpu.memory_space<hbm>>
        tpu.enqueue_indirect_dma source(%dma_start3A_58 : memref<10000x128xf32, #tpu.memory_space<hbm>>) target(%dma_start3A_52 : memref<128x128xf32, #tpu.memory_space<vmem>>) offsets(%dma_start3A_55 : memref<128xi32, #tpu.memory_space<vmem>>) semaphore(%arg12 : memref<!tpu.dma_semaphore, #tpu.memory_space<semaphore_mem>>)
        %dma_wait3A = arith.constant 0 : i32
        %dma_wait3A_59 = arith.constant 0 : i32
        %dma_wait3A_60 = tpu.memref_slice %arg9[%scan3A, %dma_wait3A, %dma_wait3A_59] : memref<2x128x128xf32, #tpu.memory_space<vmem>> -> memref<1x128x128xf32, #tpu.memory_space<vmem>>
        %dma_wait3A_61 = tpu.memref_squeeze %dma_wait3A_60 : memref<1x128x128xf32, #tpu.memory_space<vmem>> -> memref<128x128xf32, #tpu.memory_space<vmem>>
        %dma_wait3A_62 = arith.constant 0 : i32
        %dma_wait3A_63 = tpu.memref_slice %arg7[%add3A_46, %dma_wait3A_62] : memref<40x128xi32, #tpu.memory_space<vmem>> -> memref<1x128xi32, #tpu.memory_space<vmem>>
        %dma_wait3A_64 = tpu.memref_squeeze %dma_wait3A_63 : memref<1x128xi32, #tpu.memory_space<vmem>> -> memref<128xi32, #tpu.memory_space<vmem>>
        %dma_wait3A_65 = arith.constant 0 : i32
        %dma_wait3A_66 = arith.constant 0 : i32
        %dma_wait3A_67 = tpu.memref_slice %arg2[%dma_wait3A_65, %dma_wait3A_66] : memref<10000x128xf32, #tpu.memory_space<hbm>> -> memref<10000x128xf32, #tpu.memory_space<hbm>>
        tpu.wait_indirect_dma semaphore(%arg11 : memref<!tpu.dma_semaphore, #tpu.memory_space<semaphore_mem>>) src(%dma_wait3A_67 : memref<10000x128xf32, #tpu.memory_space<hbm>>) dst(%dma_wait3A_61 : memref<128x128xf32, #tpu.memory_space<vmem>>)
        "tpu.region"() ({
          %run_scoped3A = tpu.sem_alloc : memref<!tpu.dma_semaphore, #tpu.memory_space<semaphore_mem>>
          %dma_start3A_86 = arith.constant 0 : i32
          %dma_start3A_87 = arith.constant 0 : i32
          %dma_start3A_88 = tpu.memref_slice %arg9[%scan3A, %dma_start3A_86, %dma_start3A_87] : memref<2x128x128xf32, #tpu.memory_space<vmem>> -> memref<1x128x128xf32, #tpu.memory_space<vmem>>
          %dma_start3A_89 = tpu.memref_squeeze %dma_start3A_88 : memref<1x128x128xf32, #tpu.memory_space<vmem>> -> memref<128x128xf32, #tpu.memory_space<vmem>>
          %dma_start3A_90 = arith.constant 0 : i32
          %dma_start3A_91 = tpu.memref_slice %arg8[%add3A_46, %dma_start3A_90] : memref<40x128xi32, #tpu.memory_space<vmem>> -> memref<1x128xi32, #tpu.memory_space<vmem>>
          %dma_start3A_92 = tpu.memref_squeeze %dma_start3A_91 : memref<1x128xi32, #tpu.memory_space<vmem>> -> memref<128xi32, #tpu.memory_space<vmem>>
          %dma_start3A_93 = arith.constant 0 : i32
          %dma_start3A_94 = arith.constant 0 : i32
          %dma_start3A_95 = tpu.memref_slice %arg10[%dma_start3A_93, %dma_start3A_94] : memref<10112x128xf32, #tpu.memory_space<vmem_shared>> -> memref<10112x128xf32, #tpu.memory_space<vmem_shared>>
          tpu.enqueue_indirect_dma source(%dma_start3A_89 : memref<128x128xf32, #tpu.memory_space<vmem>>) target(%dma_start3A_95 : memref<10112x128xf32, #tpu.memory_space<vmem_shared>>) offsets(%dma_start3A_92 : memref<128xi32, #tpu.memory_space<vmem>>) semaphore(%run_scoped3A : memref<!tpu.dma_semaphore, #tpu.memory_space<semaphore_mem>>) {add = true}
          %dma_wait3A_96 = arith.constant 0 : i32
          %dma_wait3A_97 = arith.constant 0 : i32
          %dma_wait3A_98 = tpu.memref_slice %arg9[%scan3A, %dma_wait3A_96, %dma_wait3A_97] : memref<2x128x128xf32, #tpu.memory_space<vmem>> -> memref<1x128x128xf32, #tpu.memory_space<vmem>>
          %dma_wait3A_99 = tpu.memref_squeeze %dma_wait3A_98 : memref<1x128x128xf32, #tpu.memory_space<vmem>> -> memref<128x128xf32, #tpu.memory_space<vmem>>
          %dma_wait3A_100 = arith.constant 0 : i32
          %dma_wait3A_101 = tpu.memref_slice %arg8[%add3A_46, %dma_wait3A_100] : memref<40x128xi32, #tpu.memory_space<vmem>> -> memref<1x128xi32, #tpu.memory_space<vmem>>
          %dma_wait3A_102 = tpu.memref_squeeze %dma_wait3A_101 : memref<1x128xi32, #tpu.memory_space<vmem>> -> memref<128xi32, #tpu.memory_space<vmem>>
          %dma_wait3A_103 = arith.constant 0 : i32
          %dma_wait3A_104 = arith.constant 0 : i32
          %dma_wait3A_105 = tpu.memref_slice %arg10[%dma_wait3A_103, %dma_wait3A_104] : memref<10112x128xf32, #tpu.memory_space<vmem_shared>> -> memref<10112x128xf32, #tpu.memory_space<vmem_shared>>
          tpu.wait_indirect_dma semaphore(%run_scoped3A : memref<!tpu.dma_semaphore, #tpu.memory_space<semaphore_mem>>) src(%dma_wait3A_99 : memref<128x128xf32, #tpu.memory_space<vmem>>) dst(%dma_wait3A_105 : memref<10112x128xf32, #tpu.memory_space<vmem_shared>>)
          tpu.yield
        }) : () -> ()
        %add3A_68 = arith.constant 2 : i32
        %add3A_69 = arith.addi %add3A_46, %add3A_68 : i32
        %lt3A = arith.constant 40 : i32
        %lt3A_70 = arith.cmpi slt, %add3A_69, %lt3A : i32
        %convert_element_type3A = arith.extui %lt3A_70 : i1 to i32
        %cond3A = arith.constant 0 : i32
        %cond3A_71 = arith.cmpi ne, %convert_element_type3A, %cond3A : i32
        scf.if %cond3A_71 {
          %add3A_86 = arith.constant 2 : i32
          %add3A_87 = arith.addi %add3A_46, %add3A_86 : i32
          %dma_start3A_88 = arith.constant 0 : i32
          %dma_start3A_89 = arith.constant 0 : i32
          %dma_start3A_90 = tpu.memref_slice %arg9[%scan3A, %dma_start3A_88, %dma_start3A_89] : memref<2x128x128xf32, #tpu.memory_space<vmem>> -> memref<1x128x128xf32, #tpu.memory_space<vmem>>
          %dma_start3A_91 = tpu.memref_squeeze %dma_start3A_90 : memref<1x128x128xf32, #tpu.memory_space<vmem>> -> memref<128x128xf32, #tpu.memory_space<vmem>>
          %dma_start3A_92 = arith.constant 0 : i32
          %dma_start3A_93 = tpu.memref_slice %arg7[%add3A_87, %dma_start3A_92] : memref<40x128xi32, #tpu.memory_space<vmem>> -> memref<1x128xi32, #tpu.memory_space<vmem>>
          %dma_start3A_94 = tpu.memref_squeeze %dma_start3A_93 : memref<1x128xi32, #tpu.memory_space<vmem>> -> memref<128xi32, #tpu.memory_space<vmem>>
          %dma_start3A_95 = arith.constant 0 : i32
          %dma_start3A_96 = arith.constant 0 : i32
          %dma_start3A_97 = tpu.memref_slice %arg2[%dma_start3A_95, %dma_start3A_96] : memref<10000x128xf32, #tpu.memory_space<hbm>> -> memref<10000x128xf32, #tpu.memory_space<hbm>>
          tpu.enqueue_indirect_dma source(%dma_start3A_97 : memref<10000x128xf32, #tpu.memory_space<hbm>>) target(%dma_start3A_91 : memref<128x128xf32, #tpu.memory_space<vmem>>) offsets(%dma_start3A_94 : memref<128xi32, #tpu.memory_space<vmem>>) semaphore(%arg11 : memref<!tpu.dma_semaphore, #tpu.memory_space<semaphore_mem>>)
        } else {
        }
        %add3A_72 = arith.constant 1 : i32
        %add3A_73 = arith.addi %add3A_46, %add3A_72 : i32
        %dma_wait3A_74 = arith.constant 0 : i32
        %dma_wait3A_75 = arith.constant 0 : i32
        %dma_wait3A_76 = tpu.memref_slice %arg9[%scan3A_5, %dma_wait3A_74, %dma_wait3A_75] : memref<2x128x128xf32, #tpu.memory_space<vmem>> -> memref<1x128x128xf32, #tpu.memory_space<vmem>>
        %dma_wait3A_77 = tpu.memref_squeeze %dma_wait3A_76 : memref<1x128x128xf32, #tpu.memory_space<vmem>> -> memref<128x128xf32, #tpu.memory_space<vmem>>
        %dma_wait3A_78 = arith.constant 0 : i32
        %dma_wait3A_79 = tpu.memref_slice %arg7[%add3A_73, %dma_wait3A_78] : memref<40x128xi32, #tpu.memory_space<vmem>> -> memref<1x128xi32, #tpu.memory_space<vmem>>
        %dma_wait3A_80 = tpu.memref_squeeze %dma_wait3A_79 : memref<1x128xi32, #tpu.memory_space<vmem>> -> memref<128xi32, #tpu.memory_space<vmem>>
        %dma_wait3A_81 = arith.constant 0 : i32
        %dma_wait3A_82 = arith.constant 0 : i32
        %dma_wait3A_83 = tpu.memref_slice %arg2[%dma_wait3A_81, %dma_wait3A_82] : memref<10000x128xf32, #tpu.memory_space<hbm>> -> memref<10000x128xf32, #tpu.memory_space<hbm>>
        tpu.wait_indirect_dma semaphore(%arg12 : memref<!tpu.dma_semaphore, #tpu.memory_space<semaphore_mem>>) src(%dma_wait3A_83 : memref<10000x128xf32, #tpu.memory_space<hbm>>) dst(%dma_wait3A_77 : memref<128x128xf32, #tpu.memory_space<vmem>>)
        %add3A_84 = arith.constant 1 : i32
        %add3A_85 = arith.addi %add3A_46, %add3A_84 : i32
        "tpu.region"() ({
          %run_scoped3A = tpu.sem_alloc : memref<!tpu.dma_semaphore, #tpu.memory_space<semaphore_mem>>
          %dma_start3A_86 = arith.constant 0 : i32
          %dma_start3A_87 = arith.constant 0 : i32
          %dma_start3A_88 = tpu.memref_slice %arg9[%scan3A_5, %dma_start3A_86, %dma_start3A_87] : memref<2x128x128xf32, #tpu.memory_space<vmem>> -> memref<1x128x128xf32, #tpu.memory_space<vmem>>
          %dma_start3A_89 = tpu.memref_squeeze %dma_start3A_88 : memref<1x128x128xf32, #tpu.memory_space<vmem>> -> memref<128x128xf32, #tpu.memory_space<vmem>>
          %dma_start3A_90 = arith.constant 0 : i32
          %dma_start3A_91 = tpu.memref_slice %arg8[%add3A_85, %dma_start3A_90] : memref<40x128xi32, #tpu.memory_space<vmem>> -> memref<1x128xi32, #tpu.memory_space<vmem>>
          %dma_start3A_92 = tpu.memref_squeeze %dma_start3A_91 : memref<1x128xi32, #tpu.memory_space<vmem>> -> memref<128xi32, #tpu.memory_space<vmem>>
          %dma_start3A_93 = arith.constant 0 : i32
          %dma_start3A_94 = arith.constant 0 : i32
          %dma_start3A_95 = tpu.memref_slice %arg10[%dma_start3A_93, %dma_start3A_94] : memref<10112x128xf32, #tpu.memory_space<vmem_shared>> -> memref<10112x128xf32, #tpu.memory_space<vmem_shared>>
          tpu.enqueue_indirect_dma source(%dma_start3A_89 : memref<128x128xf32, #tpu.memory_space<vmem>>) target(%dma_start3A_95 : memref<10112x128xf32, #tpu.memory_space<vmem_shared>>) offsets(%dma_start3A_92 : memref<128xi32, #tpu.memory_space<vmem>>) semaphore(%run_scoped3A : memref<!tpu.dma_semaphore, #tpu.memory_space<semaphore_mem>>) {add = true}
          %dma_wait3A_96 = arith.constant 0 : i32
          %dma_wait3A_97 = arith.constant 0 : i32
          %dma_wait3A_98 = tpu.memref_slice %arg9[%scan3A_5, %dma_wait3A_96, %dma_wait3A_97] : memref<2x128x128xf32, #tpu.memory_space<vmem>> -> memref<1x128x128xf32, #tpu.memory_space<vmem>>
          %dma_wait3A_99 = tpu.memref_squeeze %dma_wait3A_98 : memref<1x128x128xf32, #tpu.memory_space<vmem>> -> memref<128x128xf32, #tpu.memory_space<vmem>>
          %dma_wait3A_100 = arith.constant 0 : i32
          %dma_wait3A_101 = tpu.memref_slice %arg8[%add3A_85, %dma_wait3A_100] : memref<40x128xi32, #tpu.memory_space<vmem>> -> memref<1x128xi32, #tpu.memory_space<vmem>>
          %dma_wait3A_102 = tpu.memref_squeeze %dma_wait3A_101 : memref<1x128xi32, #tpu.memory_space<vmem>> -> memref<128xi32, #tpu.memory_space<vmem>>
          %dma_wait3A_103 = arith.constant 0 : i32
          %dma_wait3A_104 = arith.constant 0 : i32
          %dma_wait3A_105 = tpu.memref_slice %arg10[%dma_wait3A_103, %dma_wait3A_104] : memref<10112x128xf32, #tpu.memory_space<vmem_shared>> -> memref<10112x128xf32, #tpu.memory_space<vmem_shared>>
          tpu.wait_indirect_dma semaphore(%run_scoped3A : memref<!tpu.dma_semaphore, #tpu.memory_space<semaphore_mem>>) src(%dma_wait3A_99 : memref<128x128xf32, #tpu.memory_space<vmem>>) dst(%dma_wait3A_105 : memref<10112x128xf32, #tpu.memory_space<vmem_shared>>)
          tpu.yield
        }) : () -> ()
      }
      %scan3A_41 = arith.constant 20 : i32
    }
    %scan3A_10 = arith.constant 2 : i32
    %barrier3A_11 = arith.constant 0 : index
    tpu.barrier barrier_id(%barrier3A_11)
    %mul3A_12 = arith.constant 632 : i32
    %mul3A_13 = arith.muli %arg1, %mul3A_12 : i32
    %mul3A_14 = arith.constant 632 : i32
    %mul3A_15 = arith.muli %arg1, %mul3A_14 : i32
    "tpu.region"() ({
      %run_scoped3A = tpu.sem_alloc : memref<!tpu.dma_semaphore, #tpu.memory_space<semaphore_mem>>
      %dma_start3A = arith.constant 0 : i32
      %dma_start3A_16 = tpu.memref_slice %arg6[%arg0, %mul3A_15, %dma_start3A] : memref<2x10112x128xf32, #tpu.memory_space<hbm>> -> memref<1x632x128xf32, #tpu.memory_space<hbm>>
      %dma_start3A_17 = tpu.memref_squeeze %dma_start3A_16 : memref<1x632x128xf32, #tpu.memory_space<hbm>> -> memref<632x128xf32, #tpu.memory_space<hbm>>
      %dma_start3A_18 = arith.constant 0 : i32
      %dma_start3A_19 = tpu.memref_slice %arg10[%mul3A_13, %dma_start3A_18] : memref<10112x128xf32, #tpu.memory_space<vmem_shared>> -> memref<632x128xf32, #tpu.memory_space<vmem_shared>>
      tpu.enqueue_dma source(%dma_start3A_19 : memref<632x128xf32, #tpu.memory_space<vmem_shared>>) target(%dma_start3A_17 : memref<632x128xf32, #tpu.memory_space<hbm>>) target_semaphore(%run_scoped3A : memref<!tpu.dma_semaphore, #tpu.memory_space<semaphore_mem>>)
      %dma_wait3A = arith.constant 0 : i32
      %dma_wait3A_20 = tpu.memref_slice %arg6[%arg0, %mul3A_15, %dma_wait3A] : memref<2x10112x128xf32, #tpu.memory_space<hbm>> -> memref<1x632x128xf32, #tpu.memory_space<hbm>>
      %dma_wait3A_21 = tpu.memref_squeeze %dma_wait3A_20 : memref<1x632x128xf32, #tpu.memory_space<hbm>> -> memref<632x128xf32, #tpu.memory_space<hbm>>
      %dma_wait3A_22 = arith.constant 0 : i32
      %dma_wait3A_23 = tpu.memref_slice %arg10[%mul3A_13, %dma_wait3A_22] : memref<10112x128xf32, #tpu.memory_space<vmem_shared>> -> memref<632x128xf32, #tpu.memory_space<vmem_shared>>
      tpu.wait_dma2 semaphore(%run_scoped3A : memref<!tpu.dma_semaphore, #tpu.memory_space<semaphore_mem>>) src(%dma_wait3A_23 : memref<632x128xf32, #tpu.memory_space<vmem_shared>>) dst(%dma_wait3A_21 : memref<632x128xf32, #tpu.memory_space<hbm>>)
      tpu.yield
    }) : () -> ()
    return
  }
}

#map = affine_map<(d0, d1) -> (0, 0)>
#map1 = affine_map<(d0, d1) -> (0, 0, 0)>
module attributes {stable_mosaic.version = 14 : i64} {
  func.func @k(%arg0: i32, %arg1: i32, %arg2: memref<10000x128xf32, #tpu.memory_space<hbm>>, %arg3: memref<2560x128xi32, #tpu.memory_space<hbm>>, %arg4: memref<2560x128xi32, #tpu.memory_space<hbm>>, %arg5: memref<10112x128xf32, #tpu.memory_space<hbm>>, %arg6: memref<2x10112x128xf32, #tpu.memory_space<hbm>>, %arg7: memref<40x128xi32, #tpu.memory_space<vmem>>, %arg8: memref<40x128xi32, #tpu.memory_space<vmem>>, %arg9: memref<2x128x128xf32, #tpu.memory_space<vmem>>, %arg10: memref<10112x128xf32, #tpu.memory_space<vmem_shared>>, %arg11: memref<!tpu.dma_semaphore, #tpu.memory_space<semaphore_mem>>, %arg12: memref<!tpu.dma_semaphore, #tpu.memory_space<semaphore_mem>>) attributes {dimension_semantics = [#tpu.dimension_semantics<core_parallel>, #tpu.dimension_semantics<subcore_parallel>], iteration_bounds = array<i64: 2, 16>, scalar_prefetch = 0 : i64, scratch_operands = 6 : i64, tpu.core_type = #tpu.core_type<sc_vector_subcore>, window_params = [{transform_indices = #map}, {transform_indices = #map}, {transform_indices = #map}, {transform_indices = #map}, {transform_indices = #map1}]} {
    %mul3A = arith.constant 16 : i32
    %mul3A_0 = arith.muli %arg0, %mul3A : i32
    %add3A = arith.addi %mul3A_0, %arg1 : i32
    %mul3A_1 = arith.constant 632 : i32
    %mul3A_2 = arith.muli %arg1, %mul3A_1 : i32
    %mul3A_3 = arith.constant 632 : i32
    %mul3A_4 = arith.muli %arg1, %mul3A_3 : i32
    "tpu.region"() ({
      %run_scoped3A = tpu.sem_alloc : memref<!tpu.dma_semaphore, #tpu.memory_space<semaphore_mem>>
      %dma_start3A = arith.constant 0 : i32
      %dma_start3A_16 = tpu.memref_slice %arg10[%mul3A_4, %dma_start3A] : memref<10112x128xf32, #tpu.memory_space<vmem_shared>> -> memref<632x128xf32, #tpu.memory_space<vmem_shared>>
      %dma_start3A_17 = arith.constant 0 : i32
      %dma_start3A_18 = tpu.memref_slice %arg5[%mul3A_2, %dma_start3A_17] : memref<10112x128xf32, #tpu.memory_space<hbm>> -> memref<632x128xf32, #tpu.memory_space<hbm>>
      tpu.enqueue_dma source(%dma_start3A_18 : memref<632x128xf32, #tpu.memory_space<hbm>>) target(%dma_start3A_16 : memref<632x128xf32, #tpu.memory_space<vmem_shared>>) target_semaphore(%run_scoped3A : memref<!tpu.dma_semaphore, #tpu.memory_space<semaphore_mem>>)
      %dma_wait3A = arith.constant 0 : i32
      %dma_wait3A_19 = tpu.memref_slice %arg10[%mul3A_4, %dma_wait3A] : memref<10112x128xf32, #tpu.memory_space<vmem_shared>> -> memref<632x128xf32, #tpu.memory_space<vmem_shared>>
      %dma_wait3A_20 = arith.constant 0 : i32
      %dma_wait3A_21 = tpu.memref_slice %arg5[%mul3A_2, %dma_wait3A_20] : memref<10112x128xf32, #tpu.memory_space<hbm>> -> memref<632x128xf32, #tpu.memory_space<hbm>>
      tpu.wait_dma2 semaphore(%run_scoped3A : memref<!tpu.dma_semaphore, #tpu.memory_space<semaphore_mem>>) src(%dma_wait3A_21 : memref<632x128xf32, #tpu.memory_space<hbm>>) dst(%dma_wait3A_19 : memref<632x128xf32, #tpu.memory_space<vmem_shared>>)
      tpu.yield
    }) : () -> ()
    %barrier3A = arith.constant 0 : index
    tpu.barrier barrier_id(%barrier3A)
    %scan3A = arith.constant 0 : i32
    %scan3A_5 = arith.constant 1 : i32
    %scan3A_6 = arith.constant 0 : i32
    %scan3A_7 = arith.constant 2 : i32
    %scan3A_8 = arith.addi %scan3A_6, %scan3A_7 : i32
    %scan3A_9 = arith.constant 1 : i32
    scf.for %scan3A_16 = %scan3A_6 to %scan3A_8 step %scan3A_9  : i32 {
      %mul3A_17 = arith.constant 40 : i32
      %mul3A_18 = arith.muli %scan3A_16, %mul3A_17 : i32
      %add3A_19 = arith.constant 0 : i32
      %add3A_20 = arith.addi %add3A_19, %mul3A_18 : i32
      %mul3A_21 = arith.constant 80 : i32
      %mul3A_22 = arith.muli %add3A, %mul3A_21 : i32
      %add3A_23 = arith.addi %mul3A_22, %add3A_20 : i32
      "tpu.region"() ({
        %run_scoped3A = tpu.sem_alloc : memref<!tpu.dma_semaphore, #tpu.memory_space<semaphore_mem>>
        %dma_start3A_42 = arith.constant 0 : i32
        %dma_start3A_43 = tpu.memref_slice %arg3[%add3A_23, %dma_start3A_42] : memref<2560x128xi32, #tpu.memory_space<hbm>> -> memref<40x128xi32, #tpu.memory_space<hbm>>
        %dma_start3A_44 = arith.constant 0 : i32
        %dma_start3A_45 = tpu.memref_slice %arg3[%add3A_23, %dma_start3A_44] : memref<2560x128xi32, #tpu.memory_space<hbm>> -> memref<40x128xi32, #tpu.memory_space<hbm>>
        tpu.enqueue_dma source(%dma_start3A_45 : memref<40x128xi32, #tpu.memory_space<hbm>>) target(%arg7 : memref<40x128xi32, #tpu.memory_space<vmem>>) target_semaphore(%run_scoped3A : memref<!tpu.dma_semaphore, #tpu.memory_space<semaphore_mem>>)
        %dma_wait3A = arith.constant 0 : i32
        %dma_wait3A_46 = tpu.memref_slice %arg3[%add3A_23, %dma_wait3A] : memref<2560x128xi32, #tpu.memory_space<hbm>> -> memref<40x128xi32, #tpu.memory_space<hbm>>
        %dma_wait3A_47 = arith.constant 0 : i32
        %dma_wait3A_48 = tpu.memref_slice %arg3[%add3A_23, %dma_wait3A_47] : memref<2560x128xi32, #tpu.memory_space<hbm>> -> memref<40x128xi32, #tpu.memory_space<hbm>>
        tpu.wait_dma2 semaphore(%run_scoped3A : memref<!tpu.dma_semaphore, #tpu.memory_space<semaphore_mem>>) src(%dma_wait3A_48 : memref<40x128xi32, #tpu.memory_space<hbm>>) dst(%arg7 : memref<40x128xi32, #tpu.memory_space<vmem>>)
        tpu.yield
      }) : () -> ()
      %mul3A_24 = arith.constant 80 : i32
      %mul3A_25 = arith.muli %add3A, %mul3A_24 : i32
      %add3A_26 = arith.addi %mul3A_25, %add3A_20 : i32
      "tpu.region"() ({
        %run_scoped3A = tpu.sem_alloc : memref<!tpu.dma_semaphore, #tpu.memory_space<semaphore_mem>>
        %dma_start3A_42 = arith.constant 0 : i32
        %dma_start3A_43 = tpu.memref_slice %arg4[%add3A_26, %dma_start3A_42] : memref<2560x128xi32, #tpu.memory_space<hbm>> -> memref<40x128xi32, #tpu.memory_space<hbm>>
        %dma_start3A_44 = arith.constant 0 : i32
        %dma_start3A_45 = tpu.memref_slice %arg4[%add3A_26, %dma_start3A_44] : memref<2560x128xi32, #tpu.memory_space<hbm>> -> memref<40x128xi32, #tpu.memory_space<hbm>>
        tpu.enqueue_dma source(%dma_start3A_45 : memref<40x128xi32, #tpu.memory_space<hbm>>) target(%arg8 : memref<40x128xi32, #tpu.memory_space<vmem>>) target_semaphore(%run_scoped3A : memref<!tpu.dma_semaphore, #tpu.memory_space<semaphore_mem>>)
        %dma_wait3A = arith.constant 0 : i32
        %dma_wait3A_46 = tpu.memref_slice %arg4[%add3A_26, %dma_wait3A] : memref<2560x128xi32, #tpu.memory_space<hbm>> -> memref<40x128xi32, #tpu.memory_space<hbm>>
        %dma_wait3A_47 = arith.constant 0 : i32
        %dma_wait3A_48 = tpu.memref_slice %arg4[%add3A_26, %dma_wait3A_47] : memref<2560x128xi32, #tpu.memory_space<hbm>> -> memref<40x128xi32, #tpu.memory_space<hbm>>
        tpu.wait_dma2 semaphore(%run_scoped3A : memref<!tpu.dma_semaphore, #tpu.memory_space<semaphore_mem>>) src(%dma_wait3A_48 : memref<40x128xi32, #tpu.memory_space<hbm>>) dst(%arg8 : memref<40x128xi32, #tpu.memory_space<vmem>>)
        tpu.yield
      }) : () -> ()
      %dma_start3A = arith.constant 0 : i32
      %dma_start3A_27 = arith.constant 0 : i32
      %dma_start3A_28 = arith.constant 0 : i32
      %dma_start3A_29 = tpu.memref_slice %arg9[%scan3A, %dma_start3A_27, %dma_start3A_28] : memref<2x128x128xf32, #tpu.memory_space<vmem>> -> memref<1x128x128xf32, #tpu.memory_space<vmem>>
      %dma_start3A_30 = tpu.memref_squeeze %dma_start3A_29 : memref<1x128x128xf32, #tpu.memory_space<vmem>> -> memref<128x128xf32, #tpu.memory_space<vmem>>
      %dma_start3A_31 = arith.constant 0 : i32
      %dma_start3A_32 = tpu.memref_slice %arg7[%dma_start3A, %dma_start3A_31] : memref<40x128xi32, #tpu.memory_space<vmem>> -> memref<1x128xi32, #tpu.memory_space<vmem>>
      %dma_start3A_33 = tpu.memref_squeeze %dma_start3A_32 : memref<1x128xi32, #tpu.memory_space<vmem>> -> memref<128xi32, #tpu.memory_space<vmem>>
      %dma_start3A_34 = arith.constant 0 : i32
      %dma_start3A_35 = arith.constant 0 : i32
      %dma_start3A_36 = tpu.memref_slice %arg2[%dma_start3A_34, %dma_start3A_35] : memref<10000x128xf32, #tpu.memory_space<hbm>> -> memref<10000x128xf32, #tpu.memory_space<hbm>>
      tpu.enqueue_indirect_dma source(%dma_start3A_36 : memref<10000x128xf32, #tpu.memory_space<hbm>>) target(%dma_start3A_30 : memref<128x128xf32, #tpu.memory_space<vmem>>) offsets(%dma_start3A_33 : memref<128xi32, #tpu.memory_space<vmem>>) semaphore(%arg11 : memref<!tpu.dma_semaphore, #tpu.memory_space<semaphore_mem>>)
      %scan3A_37 = arith.constant 0 : i32
      %scan3A_38 = arith.constant 20 : i32
      %scan3A_39 = arith.addi %scan3A_37, %scan3A_38 : i32
      %scan3A_40 = arith.constant 1 : i32
      scf.for %scan3A_42 = %scan3A_37 to %scan3A_39 step %scan3A_40  : i32 {
        %mul3A_43 = arith.constant 2 : i32
        %mul3A_44 = arith.muli %scan3A_42, %mul3A_43 : i32
        %add3A_45 = arith.constant 0 : i32
        %add3A_46 = arith.addi %add3A_45, %mul3A_44 : i32
        %add3A_47 = arith.constant 1 : i32
        %add3A_48 = arith.addi %add3A_46, %add3A_47 : i32
        %dma_start3A_49 = arith.constant 0 : i32
        %dma_start3A_50 = arith.constant 0 : i32
        %dma_start3A_51 = tpu.memref_slice %arg9[%scan3A_5, %dma_start3A_49, %dma_start3A_50] : memref<2x128x128xf32, #tpu.memory_space<vmem>> -> memref<1x128x128xf32, #tpu.memory_space<vmem>>
        %dma_start3A_52 = tpu.memref_squeeze %dma_start3A_51 : memref<1x128x128xf32, #tpu.memory_space<vmem>> -> memref<128x128xf32, #tpu.memory_space<vmem>>
        %dma_start3A_53 = arith.constant 0 : i32
        %dma_start3A_54 = tpu.memref_slice %arg7[%add3A_48, %dma_start3A_53] : memref<40x128xi32, #tpu.memory_space<vmem>> -> memref<1x128xi32, #tpu.memory_space<vmem>>
        %dma_start3A_55 = tpu.memref_squeeze %dma_start3A_54 : memref<1x128xi32, #tpu.memory_space<vmem>> -> memref<128xi32, #tpu.memory_space<vmem>>
        %dma_start3A_56 = arith.constant 0 : i32
        %dma_start3A_57 = arith.constant 0 : i32
        %dma_start3A_58 = tpu.memref_slice %arg2[%dma_start3A_56, %dma_start3A_57] : memref<10000x128xf32, #tpu.memory_space<hbm>> -> memref<10000x128xf32, #tpu.memory_space<hbm>>
        tpu.enqueue_indirect_dma source(%dma_start3A_58 : memref<10000x128xf32, #tpu.memory_space<hbm>>) target(%dma_start3A_52 : memref<128x128xf32, #tpu.memory_space<vmem>>) offsets(%dma_start3A_55 : memref<128xi32, #tpu.memory_space<vmem>>) semaphore(%arg12 : memref<!tpu.dma_semaphore, #tpu.memory_space<semaphore_mem>>)
        %dma_wait3A = arith.constant 0 : i32
        %dma_wait3A_59 = arith.constant 0 : i32
        %dma_wait3A_60 = tpu.memref_slice %arg9[%scan3A, %dma_wait3A, %dma_wait3A_59] : memref<2x128x128xf32, #tpu.memory_space<vmem>> -> memref<1x128x128xf32, #tpu.memory_space<vmem>>
        %dma_wait3A_61 = tpu.memref_squeeze %dma_wait3A_60 : memref<1x128x128xf32, #tpu.memory_space<vmem>> -> memref<128x128xf32, #tpu.memory_space<vmem>>
        %dma_wait3A_62 = arith.constant 0 : i32
        %dma_wait3A_63 = tpu.memref_slice %arg7[%add3A_46, %dma_wait3A_62] : memref<40x128xi32, #tpu.memory_space<vmem>> -> memref<1x128xi32, #tpu.memory_space<vmem>>
        %dma_wait3A_64 = tpu.memref_squeeze %dma_wait3A_63 : memref<1x128xi32, #tpu.memory_space<vmem>> -> memref<128xi32, #tpu.memory_space<vmem>>
        %dma_wait3A_65 = arith.constant 0 : i32
        %dma_wait3A_66 = arith.constant 0 : i32
        %dma_wait3A_67 = tpu.memref_slice %arg2[%dma_wait3A_65, %dma_wait3A_66] : memref<10000x128xf32, #tpu.memory_space<hbm>> -> memref<10000x128xf32, #tpu.memory_space<hbm>>
        tpu.wait_indirect_dma semaphore(%arg11 : memref<!tpu.dma_semaphore, #tpu.memory_space<semaphore_mem>>) src(%dma_wait3A_67 : memref<10000x128xf32, #tpu.memory_space<hbm>>) dst(%dma_wait3A_61 : memref<128x128xf32, #tpu.memory_space<vmem>>)
        "tpu.region"() ({
          %run_scoped3A = tpu.sem_alloc : memref<!tpu.dma_semaphore, #tpu.memory_space<semaphore_mem>>
          %dma_start3A_86 = arith.constant 0 : i32
          %dma_start3A_87 = arith.constant 0 : i32
          %dma_start3A_88 = tpu.memref_slice %arg9[%scan3A, %dma_start3A_86, %dma_start3A_87] : memref<2x128x128xf32, #tpu.memory_space<vmem>> -> memref<1x128x128xf32, #tpu.memory_space<vmem>>
          %dma_start3A_89 = tpu.memref_squeeze %dma_start3A_88 : memref<1x128x128xf32, #tpu.memory_space<vmem>> -> memref<128x128xf32, #tpu.memory_space<vmem>>
          %dma_start3A_90 = arith.constant 0 : i32
          %dma_start3A_91 = tpu.memref_slice %arg8[%add3A_46, %dma_start3A_90] : memref<40x128xi32, #tpu.memory_space<vmem>> -> memref<1x128xi32, #tpu.memory_space<vmem>>
          %dma_start3A_92 = tpu.memref_squeeze %dma_start3A_91 : memref<1x128xi32, #tpu.memory_space<vmem>> -> memref<128xi32, #tpu.memory_space<vmem>>
          %dma_start3A_93 = arith.constant 0 : i32
          %dma_start3A_94 = arith.constant 0 : i32
          %dma_start3A_95 = tpu.memref_slice %arg10[%dma_start3A_93, %dma_start3A_94] : memref<10112x128xf32, #tpu.memory_space<vmem_shared>> -> memref<10112x128xf32, #tpu.memory_space<vmem_shared>>
          tpu.enqueue_indirect_dma source(%dma_start3A_89 : memref<128x128xf32, #tpu.memory_space<vmem>>) target(%dma_start3A_95 : memref<10112x128xf32, #tpu.memory_space<vmem_shared>>) offsets(%dma_start3A_92 : memref<128xi32, #tpu.memory_space<vmem>>) semaphore(%run_scoped3A : memref<!tpu.dma_semaphore, #tpu.memory_space<semaphore_mem>>) {add = true}
          %dma_wait3A_96 = arith.constant 0 : i32
          %dma_wait3A_97 = arith.constant 0 : i32
          %dma_wait3A_98 = tpu.memref_slice %arg9[%scan3A, %dma_wait3A_96, %dma_wait3A_97] : memref<2x128x128xf32, #tpu.memory_space<vmem>> -> memref<1x128x128xf32, #tpu.memory_space<vmem>>
          %dma_wait3A_99 = tpu.memref_squeeze %dma_wait3A_98 : memref<1x128x128xf32, #tpu.memory_space<vmem>> -> memref<128x128xf32, #tpu.memory_space<vmem>>
          %dma_wait3A_100 = arith.constant 0 : i32
          %dma_wait3A_101 = tpu.memref_slice %arg8[%add3A_46, %dma_wait3A_100] : memref<40x128xi32, #tpu.memory_space<vmem>> -> memref<1x128xi32, #tpu.memory_space<vmem>>
          %dma_wait3A_102 = tpu.memref_squeeze %dma_wait3A_101 : memref<1x128xi32, #tpu.memory_space<vmem>> -> memref<128xi32, #tpu.memory_space<vmem>>
          %dma_wait3A_103 = arith.constant 0 : i32
          %dma_wait3A_104 = arith.constant 0 : i32
          %dma_wait3A_105 = tpu.memref_slice %arg10[%dma_wait3A_103, %dma_wait3A_104] : memref<10112x128xf32, #tpu.memory_space<vmem_shared>> -> memref<10112x128xf32, #tpu.memory_space<vmem_shared>>
          tpu.wait_indirect_dma semaphore(%run_scoped3A : memref<!tpu.dma_semaphore, #tpu.memory_space<semaphore_mem>>) src(%dma_wait3A_99 : memref<128x128xf32, #tpu.memory_space<vmem>>) dst(%dma_wait3A_105 : memref<10112x128xf32, #tpu.memory_space<vmem_shared>>)
          tpu.yield
        }) : () -> ()
        %add3A_68 = arith.constant 2 : i32
        %add3A_69 = arith.addi %add3A_46, %add3A_68 : i32
        %lt3A = arith.constant 40 : i32
        %lt3A_70 = arith.cmpi slt, %add3A_69, %lt3A : i32
        %convert_element_type3A = arith.extui %lt3A_70 : i1 to i32
        %cond3A = arith.constant 0 : i32
        %cond3A_71 = arith.cmpi ne, %convert_element_type3A, %cond3A : i32
        scf.if %cond3A_71 {
          %add3A_86 = arith.constant 2 : i32
          %add3A_87 = arith.addi %add3A_46, %add3A_86 : i32
          %dma_start3A_88 = arith.constant 0 : i32
          %dma_start3A_89 = arith.constant 0 : i32
          %dma_start3A_90 = tpu.memref_slice %arg9[%scan3A, %dma_start3A_88, %dma_start3A_89] : memref<2x128x128xf32, #tpu.memory_space<vmem>> -> memref<1x128x128xf32, #tpu.memory_space<vmem>>
          %dma_start3A_91 = tpu.memref_squeeze %dma_start3A_90 : memref<1x128x128xf32, #tpu.memory_space<vmem>> -> memref<128x128xf32, #tpu.memory_space<vmem>>
          %dma_start3A_92 = arith.constant 0 : i32
          %dma_start3A_93 = tpu.memref_slice %arg7[%add3A_87, %dma_start3A_92] : memref<40x128xi32, #tpu.memory_space<vmem>> -> memref<1x128xi32, #tpu.memory_space<vmem>>
          %dma_start3A_94 = tpu.memref_squeeze %dma_start3A_93 : memref<1x128xi32, #tpu.memory_space<vmem>> -> memref<128xi32, #tpu.memory_space<vmem>>
          %dma_start3A_95 = arith.constant 0 : i32
          %dma_start3A_96 = arith.constant 0 : i32
          %dma_start3A_97 = tpu.memref_slice %arg2[%dma_start3A_95, %dma_start3A_96] : memref<10000x128xf32, #tpu.memory_space<hbm>> -> memref<10000x128xf32, #tpu.memory_space<hbm>>
          tpu.enqueue_indirect_dma source(%dma_start3A_97 : memref<10000x128xf32, #tpu.memory_space<hbm>>) target(%dma_start3A_91 : memref<128x128xf32, #tpu.memory_space<vmem>>) offsets(%dma_start3A_94 : memref<128xi32, #tpu.memory_space<vmem>>) semaphore(%arg11 : memref<!tpu.dma_semaphore, #tpu.memory_space<semaphore_mem>>)
        } else {
        }
        %add3A_72 = arith.constant 1 : i32
        %add3A_73 = arith.addi %add3A_46, %add3A_72 : i32
        %dma_wait3A_74 = arith.constant 0 : i32
        %dma_wait3A_75 = arith.constant 0 : i32
        %dma_wait3A_76 = tpu.memref_slice %arg9[%scan3A_5, %dma_wait3A_74, %dma_wait3A_75] : memref<2x128x128xf32, #tpu.memory_space<vmem>> -> memref<1x128x128xf32, #tpu.memory_space<vmem>>
        %dma_wait3A_77 = tpu.memref_squeeze %dma_wait3A_76 : memref<1x128x128xf32, #tpu.memory_space<vmem>> -> memref<128x128xf32, #tpu.memory_space<vmem>>
        %dma_wait3A_78 = arith.constant 0 : i32
        %dma_wait3A_79 = tpu.memref_slice %arg7[%add3A_73, %dma_wait3A_78] : memref<40x128xi32, #tpu.memory_space<vmem>> -> memref<1x128xi32, #tpu.memory_space<vmem>>
        %dma_wait3A_80 = tpu.memref_squeeze %dma_wait3A_79 : memref<1x128xi32, #tpu.memory_space<vmem>> -> memref<128xi32, #tpu.memory_space<vmem>>
        %dma_wait3A_81 = arith.constant 0 : i32
        %dma_wait3A_82 = arith.constant 0 : i32
        %dma_wait3A_83 = tpu.memref_slice %arg2[%dma_wait3A_81, %dma_wait3A_82] : memref<10000x128xf32, #tpu.memory_space<hbm>> -> memref<10000x128xf32, #tpu.memory_space<hbm>>
        tpu.wait_indirect_dma semaphore(%arg12 : memref<!tpu.dma_semaphore, #tpu.memory_space<semaphore_mem>>) src(%dma_wait3A_83 : memref<10000x128xf32, #tpu.memory_space<hbm>>) dst(%dma_wait3A_77 : memref<128x128xf32, #tpu.memory_space<vmem>>)
        %add3A_84 = arith.constant 1 : i32
        %add3A_85 = arith.addi %add3A_46, %add3A_84 : i32
        "tpu.region"() ({
          %run_scoped3A = tpu.sem_alloc : memref<!tpu.dma_semaphore, #tpu.memory_space<semaphore_mem>>
          %dma_start3A_86 = arith.constant 0 : i32
          %dma_start3A_87 = arith.constant 0 : i32
          %dma_start3A_88 = tpu.memref_slice %arg9[%scan3A_5, %dma_start3A_86, %dma_start3A_87] : memref<2x128x128xf32, #tpu.memory_space<vmem>> -> memref<1x128x128xf32, #tpu.memory_space<vmem>>
          %dma_start3A_89 = tpu.memref_squeeze %dma_start3A_88 : memref<1x128x128xf32, #tpu.memory_space<vmem>> -> memref<128x128xf32, #tpu.memory_space<vmem>>
          %dma_start3A_90 = arith.constant 0 : i32
          %dma_start3A_91 = tpu.memref_slice %arg8[%add3A_85, %dma_start3A_90] : memref<40x128xi32, #tpu.memory_space<vmem>> -> memref<1x128xi32, #tpu.memory_space<vmem>>
          %dma_start3A_92 = tpu.memref_squeeze %dma_start3A_91 : memref<1x128xi32, #tpu.memory_space<vmem>> -> memref<128xi32, #tpu.memory_space<vmem>>
          %dma_start3A_93 = arith.constant 0 : i32
          %dma_start3A_94 = arith.constant 0 : i32
          %dma_start3A_95 = tpu.memref_slice %arg10[%dma_start3A_93, %dma_start3A_94] : memref<10112x128xf32, #tpu.memory_space<vmem_shared>> -> memref<10112x128xf32, #tpu.memory_space<vmem_shared>>
          tpu.enqueue_indirect_dma source(%dma_start3A_89 : memref<128x128xf32, #tpu.memory_space<vmem>>) target(%dma_start3A_95 : memref<10112x128xf32, #tpu.memory_space<vmem_shared>>) offsets(%dma_start3A_92 : memref<128xi32, #tpu.memory_space<vmem>>) semaphore(%run_scoped3A : memref<!tpu.dma_semaphore, #tpu.memory_space<semaphore_mem>>) {add = true}
          %dma_wait3A_96 = arith.constant 0 : i32
          %dma_wait3A_97 = arith.constant 0 : i32
          %dma_wait3A_98 = tpu.memref_slice %arg9[%scan3A_5, %dma_wait3A_96, %dma_wait3A_97] : memref<2x128x128xf32, #tpu.memory_space<vmem>> -> memref<1x128x128xf32, #tpu.memory_space<vmem>>
          %dma_wait3A_99 = tpu.memref_squeeze %dma_wait3A_98 : memref<1x128x128xf32, #tpu.memory_space<vmem>> -> memref<128x128xf32, #tpu.memory_space<vmem>>
          %dma_wait3A_100 = arith.constant 0 : i32
          %dma_wait3A_101 = tpu.memref_slice %arg8[%add3A_85, %dma_wait3A_100] : memref<40x128xi32, #tpu.memory_space<vmem>> -> memref<1x128xi32, #tpu.memory_space<vmem>>
          %dma_wait3A_102 = tpu.memref_squeeze %dma_wait3A_101 : memref<1x128xi32, #tpu.memory_space<vmem>> -> memref<128xi32, #tpu.memory_space<vmem>>
          %dma_wait3A_103 = arith.constant 0 : i32
          %dma_wait3A_104 = arith.constant 0 : i32
          %dma_wait3A_105 = tpu.memref_slice %arg10[%dma_wait3A_103, %dma_wait3A_104] : memref<10112x128xf32, #tpu.memory_space<vmem_shared>> -> memref<10112x128xf32, #tpu.memory_space<vmem_shared>>
          tpu.wait_indirect_dma semaphore(%run_scoped3A : memref<!tpu.dma_semaphore, #tpu.memory_space<semaphore_mem>>) src(%dma_wait3A_99 : memref<128x128xf32, #tpu.memory_space<vmem>>) dst(%dma_wait3A_105 : memref<10112x128xf32, #tpu.memory_space<vmem_shared>>)
          tpu.yield
        }) : () -> ()
      }
      %scan3A_41 = arith.constant 20 : i32
    }
    %scan3A_10 = arith.constant 2 : i32
    %barrier3A_11 = arith.constant 0 : index
    tpu.barrier barrier_id(%barrier3A_11)
    %mul3A_12 = arith.constant 632 : i32
    %mul3A_13 = arith.muli %arg1, %mul3A_12 : i32
    %mul3A_14 = arith.constant 632 : i32
    %mul3A_15 = arith.muli %arg1, %mul3A_14 : i32
    "tpu.region"() ({
      %run_scoped3A = tpu.sem_alloc : memref<!tpu.dma_semaphore, #tpu.memory_space<semaphore_mem>>
      %dma_start3A = arith.constant 0 : i32
      %dma_start3A_16 = tpu.memref_slice %arg6[%arg0, %mul3A_15, %dma_start3A] : memref<2x10112x128xf32, #tpu.memory_space<hbm>> -> memref<1x632x128xf32, #tpu.memory_space<hbm>>
      %dma_start3A_17 = tpu.memref_squeeze %dma_start3A_16 : memref<1x632x128xf32, #tpu.memory_space<hbm>> -> memref<632x128xf32, #tpu.memory_space<hbm>>
      %dma_start3A_18 = arith.constant 0 : i32
      %dma_start3A_19 = tpu.memref_slice %arg10[%mul3A_13, %dma_start3A_18] : memref<10112x128xf32, #tpu.memory_space<vmem_shared>> -> memref<632x128xf32, #tpu.memory_space<vmem_shared>>
      tpu.enqueue_dma source(%dma_start3A_19 : memref<632x128xf32, #tpu.memory_space<vmem_shared>>) target(%dma_start3A_17 : memref<632x128xf32, #tpu.memory_space<hbm>>) target_semaphore(%run_scoped3A : memref<!tpu.dma_semaphore, #tpu.memory_space<semaphore_mem>>)
      %dma_wait3A = arith.constant 0 : i32
      %dma_wait3A_20 = tpu.memref_slice %arg6[%arg0, %mul3A_15, %dma_wait3A] : memref<2x10112x128xf32, #tpu.memory_space<hbm>> -> memref<1x632x128xf32, #tpu.memory_space<hbm>>
      %dma_wait3A_21 = tpu.memref_squeeze %dma_wait3A_20 : memref<1x632x128xf32, #tpu.memory_space<hbm>> -> memref<632x128xf32, #tpu.memory_space<hbm>>
      %dma_wait3A_22 = arith.constant 0 : i32
      %dma_wait3A_23 = tpu.memref_slice %arg10[%mul3A_13, %dma_wait3A_22] : memref<10112x128xf32, #tpu.memory_space<vmem_shared>> -> memref<632x128xf32, #tpu.memory_space<vmem_shared>>
      tpu.wait_dma2 semaphore(%run_scoped3A : memref<!tpu.dma_semaphore, #tpu.memory_space<semaphore_mem>>) src(%dma_wait3A_23 : memref<632x128xf32, #tpu.memory_space<vmem_shared>>) dst(%dma_wait3A_21 : memref<632x128xf32, #tpu.memory_space<hbm>>)
      tpu.yield
    }) : () -> ()
    return
  }
}

#map = affine_map<(d0, d1) -> (0, 0)>
#map1 = affine_map<(d0, d1) -> (0, 0, 0)>
module attributes {stable_mosaic.version = 14 : i64} {
  func.func @k(%arg0: i32, %arg1: i32, %arg2: memref<10000x128xf32, #tpu.memory_space<hbm>>, %arg3: memref<2560x128xi32, #tpu.memory_space<hbm>>, %arg4: memref<2560x128xi32, #tpu.memory_space<hbm>>, %arg5: memref<10112x128xf32, #tpu.memory_space<hbm>>, %arg6: memref<2x10112x128xf32, #tpu.memory_space<hbm>>, %arg7: memref<40x128xi32, #tpu.memory_space<vmem>>, %arg8: memref<40x128xi32, #tpu.memory_space<vmem>>, %arg9: memref<2x128x128xf32, #tpu.memory_space<vmem>>, %arg10: memref<10112x128xf32, #tpu.memory_space<vmem_shared>>, %arg11: memref<!tpu.dma_semaphore, #tpu.memory_space<semaphore_mem>>, %arg12: memref<!tpu.dma_semaphore, #tpu.memory_space<semaphore_mem>>) attributes {dimension_semantics = [#tpu.dimension_semantics<core_parallel>, #tpu.dimension_semantics<subcore_parallel>], iteration_bounds = array<i64: 2, 16>, scalar_prefetch = 0 : i64, scratch_operands = 6 : i64, tpu.core_type = #tpu.core_type<sc_vector_subcore>, window_params = [{transform_indices = #map}, {transform_indices = #map}, {transform_indices = #map}, {transform_indices = #map}, {transform_indices = #map1}]} {
    %mul3A = arith.constant 16 : i32
    %mul3A_0 = arith.muli %arg0, %mul3A : i32
    %add3A = arith.addi %mul3A_0, %arg1 : i32
    %mul3A_1 = arith.constant 632 : i32
    %mul3A_2 = arith.muli %arg1, %mul3A_1 : i32
    %mul3A_3 = arith.constant 632 : i32
    %mul3A_4 = arith.muli %arg1, %mul3A_3 : i32
    "tpu.region"() ({
      %run_scoped3A = tpu.sem_alloc : memref<!tpu.dma_semaphore, #tpu.memory_space<semaphore_mem>>
      %dma_start3A = arith.constant 0 : i32
      %dma_start3A_16 = tpu.memref_slice %arg10[%mul3A_4, %dma_start3A] : memref<10112x128xf32, #tpu.memory_space<vmem_shared>> -> memref<632x128xf32, #tpu.memory_space<vmem_shared>>
      %dma_start3A_17 = arith.constant 0 : i32
      %dma_start3A_18 = tpu.memref_slice %arg5[%mul3A_2, %dma_start3A_17] : memref<10112x128xf32, #tpu.memory_space<hbm>> -> memref<632x128xf32, #tpu.memory_space<hbm>>
      tpu.enqueue_dma source(%dma_start3A_18 : memref<632x128xf32, #tpu.memory_space<hbm>>) target(%dma_start3A_16 : memref<632x128xf32, #tpu.memory_space<vmem_shared>>) target_semaphore(%run_scoped3A : memref<!tpu.dma_semaphore, #tpu.memory_space<semaphore_mem>>)
      %dma_wait3A = arith.constant 0 : i32
      %dma_wait3A_19 = tpu.memref_slice %arg10[%mul3A_4, %dma_wait3A] : memref<10112x128xf32, #tpu.memory_space<vmem_shared>> -> memref<632x128xf32, #tpu.memory_space<vmem_shared>>
      %dma_wait3A_20 = arith.constant 0 : i32
      %dma_wait3A_21 = tpu.memref_slice %arg5[%mul3A_2, %dma_wait3A_20] : memref<10112x128xf32, #tpu.memory_space<hbm>> -> memref<632x128xf32, #tpu.memory_space<hbm>>
      tpu.wait_dma2 semaphore(%run_scoped3A : memref<!tpu.dma_semaphore, #tpu.memory_space<semaphore_mem>>) src(%dma_wait3A_21 : memref<632x128xf32, #tpu.memory_space<hbm>>) dst(%dma_wait3A_19 : memref<632x128xf32, #tpu.memory_space<vmem_shared>>)
      tpu.yield
    }) : () -> ()
    %barrier3A = arith.constant 0 : index
    tpu.barrier barrier_id(%barrier3A)
    %scan3A = arith.constant 0 : i32
    %scan3A_5 = arith.constant 1 : i32
    %scan3A_6 = arith.constant 0 : i32
    %scan3A_7 = arith.constant 2 : i32
    %scan3A_8 = arith.addi %scan3A_6, %scan3A_7 : i32
    %scan3A_9 = arith.constant 1 : i32
    scf.for %scan3A_16 = %scan3A_6 to %scan3A_8 step %scan3A_9  : i32 {
      %mul3A_17 = arith.constant 40 : i32
      %mul3A_18 = arith.muli %scan3A_16, %mul3A_17 : i32
      %add3A_19 = arith.constant 0 : i32
      %add3A_20 = arith.addi %add3A_19, %mul3A_18 : i32
      %mul3A_21 = arith.constant 80 : i32
      %mul3A_22 = arith.muli %add3A, %mul3A_21 : i32
      %add3A_23 = arith.addi %mul3A_22, %add3A_20 : i32
      "tpu.region"() ({
        %run_scoped3A = tpu.sem_alloc : memref<!tpu.dma_semaphore, #tpu.memory_space<semaphore_mem>>
        %dma_start3A_42 = arith.constant 0 : i32
        %dma_start3A_43 = tpu.memref_slice %arg3[%add3A_23, %dma_start3A_42] : memref<2560x128xi32, #tpu.memory_space<hbm>> -> memref<40x128xi32, #tpu.memory_space<hbm>>
        %dma_start3A_44 = arith.constant 0 : i32
        %dma_start3A_45 = tpu.memref_slice %arg3[%add3A_23, %dma_start3A_44] : memref<2560x128xi32, #tpu.memory_space<hbm>> -> memref<40x128xi32, #tpu.memory_space<hbm>>
        tpu.enqueue_dma source(%dma_start3A_45 : memref<40x128xi32, #tpu.memory_space<hbm>>) target(%arg7 : memref<40x128xi32, #tpu.memory_space<vmem>>) target_semaphore(%run_scoped3A : memref<!tpu.dma_semaphore, #tpu.memory_space<semaphore_mem>>)
        %dma_wait3A = arith.constant 0 : i32
        %dma_wait3A_46 = tpu.memref_slice %arg3[%add3A_23, %dma_wait3A] : memref<2560x128xi32, #tpu.memory_space<hbm>> -> memref<40x128xi32, #tpu.memory_space<hbm>>
        %dma_wait3A_47 = arith.constant 0 : i32
        %dma_wait3A_48 = tpu.memref_slice %arg3[%add3A_23, %dma_wait3A_47] : memref<2560x128xi32, #tpu.memory_space<hbm>> -> memref<40x128xi32, #tpu.memory_space<hbm>>
        tpu.wait_dma2 semaphore(%run_scoped3A : memref<!tpu.dma_semaphore, #tpu.memory_space<semaphore_mem>>) src(%dma_wait3A_48 : memref<40x128xi32, #tpu.memory_space<hbm>>) dst(%arg7 : memref<40x128xi32, #tpu.memory_space<vmem>>)
        tpu.yield
      }) : () -> ()
      %mul3A_24 = arith.constant 80 : i32
      %mul3A_25 = arith.muli %add3A, %mul3A_24 : i32
      %add3A_26 = arith.addi %mul3A_25, %add3A_20 : i32
      "tpu.region"() ({
        %run_scoped3A = tpu.sem_alloc : memref<!tpu.dma_semaphore, #tpu.memory_space<semaphore_mem>>
        %dma_start3A_42 = arith.constant 0 : i32
        %dma_start3A_43 = tpu.memref_slice %arg4[%add3A_26, %dma_start3A_42] : memref<2560x128xi32, #tpu.memory_space<hbm>> -> memref<40x128xi32, #tpu.memory_space<hbm>>
        %dma_start3A_44 = arith.constant 0 : i32
        %dma_start3A_45 = tpu.memref_slice %arg4[%add3A_26, %dma_start3A_44] : memref<2560x128xi32, #tpu.memory_space<hbm>> -> memref<40x128xi32, #tpu.memory_space<hbm>>
        tpu.enqueue_dma source(%dma_start3A_45 : memref<40x128xi32, #tpu.memory_space<hbm>>) target(%arg8 : memref<40x128xi32, #tpu.memory_space<vmem>>) target_semaphore(%run_scoped3A : memref<!tpu.dma_semaphore, #tpu.memory_space<semaphore_mem>>)
        %dma_wait3A = arith.constant 0 : i32
        %dma_wait3A_46 = tpu.memref_slice %arg4[%add3A_26, %dma_wait3A] : memref<2560x128xi32, #tpu.memory_space<hbm>> -> memref<40x128xi32, #tpu.memory_space<hbm>>
        %dma_wait3A_47 = arith.constant 0 : i32
        %dma_wait3A_48 = tpu.memref_slice %arg4[%add3A_26, %dma_wait3A_47] : memref<2560x128xi32, #tpu.memory_space<hbm>> -> memref<40x128xi32, #tpu.memory_space<hbm>>
        tpu.wait_dma2 semaphore(%run_scoped3A : memref<!tpu.dma_semaphore, #tpu.memory_space<semaphore_mem>>) src(%dma_wait3A_48 : memref<40x128xi32, #tpu.memory_space<hbm>>) dst(%arg8 : memref<40x128xi32, #tpu.memory_space<vmem>>)
        tpu.yield
      }) : () -> ()
      %dma_start3A = arith.constant 0 : i32
      %dma_start3A_27 = arith.constant 0 : i32
      %dma_start3A_28 = arith.constant 0 : i32
      %dma_start3A_29 = tpu.memref_slice %arg9[%scan3A, %dma_start3A_27, %dma_start3A_28] : memref<2x128x128xf32, #tpu.memory_space<vmem>> -> memref<1x128x128xf32, #tpu.memory_space<vmem>>
      %dma_start3A_30 = tpu.memref_squeeze %dma_start3A_29 : memref<1x128x128xf32, #tpu.memory_space<vmem>> -> memref<128x128xf32, #tpu.memory_space<vmem>>
      %dma_start3A_31 = arith.constant 0 : i32
      %dma_start3A_32 = tpu.memref_slice %arg7[%dma_start3A, %dma_start3A_31] : memref<40x128xi32, #tpu.memory_space<vmem>> -> memref<1x128xi32, #tpu.memory_space<vmem>>
      %dma_start3A_33 = tpu.memref_squeeze %dma_start3A_32 : memref<1x128xi32, #tpu.memory_space<vmem>> -> memref<128xi32, #tpu.memory_space<vmem>>
      %dma_start3A_34 = arith.constant 0 : i32
      %dma_start3A_35 = arith.constant 0 : i32
      %dma_start3A_36 = tpu.memref_slice %arg2[%dma_start3A_34, %dma_start3A_35] : memref<10000x128xf32, #tpu.memory_space<hbm>> -> memref<10000x128xf32, #tpu.memory_space<hbm>>
      tpu.enqueue_indirect_dma source(%dma_start3A_36 : memref<10000x128xf32, #tpu.memory_space<hbm>>) target(%dma_start3A_30 : memref<128x128xf32, #tpu.memory_space<vmem>>) offsets(%dma_start3A_33 : memref<128xi32, #tpu.memory_space<vmem>>) semaphore(%arg11 : memref<!tpu.dma_semaphore, #tpu.memory_space<semaphore_mem>>)
      %scan3A_37 = arith.constant 0 : i32
      %scan3A_38 = arith.constant 20 : i32
      %scan3A_39 = arith.addi %scan3A_37, %scan3A_38 : i32
      %scan3A_40 = arith.constant 1 : i32
      scf.for %scan3A_42 = %scan3A_37 to %scan3A_39 step %scan3A_40  : i32 {
        %mul3A_43 = arith.constant 2 : i32
        %mul3A_44 = arith.muli %scan3A_42, %mul3A_43 : i32
        %add3A_45 = arith.constant 0 : i32
        %add3A_46 = arith.addi %add3A_45, %mul3A_44 : i32
        %add3A_47 = arith.constant 1 : i32
        %add3A_48 = arith.addi %add3A_46, %add3A_47 : i32
        %dma_start3A_49 = arith.constant 0 : i32
        %dma_start3A_50 = arith.constant 0 : i32
        %dma_start3A_51 = tpu.memref_slice %arg9[%scan3A_5, %dma_start3A_49, %dma_start3A_50] : memref<2x128x128xf32, #tpu.memory_space<vmem>> -> memref<1x128x128xf32, #tpu.memory_space<vmem>>
        %dma_start3A_52 = tpu.memref_squeeze %dma_start3A_51 : memref<1x128x128xf32, #tpu.memory_space<vmem>> -> memref<128x128xf32, #tpu.memory_space<vmem>>
        %dma_start3A_53 = arith.constant 0 : i32
        %dma_start3A_54 = tpu.memref_slice %arg7[%add3A_48, %dma_start3A_53] : memref<40x128xi32, #tpu.memory_space<vmem>> -> memref<1x128xi32, #tpu.memory_space<vmem>>
        %dma_start3A_55 = tpu.memref_squeeze %dma_start3A_54 : memref<1x128xi32, #tpu.memory_space<vmem>> -> memref<128xi32, #tpu.memory_space<vmem>>
        %dma_start3A_56 = arith.constant 0 : i32
        %dma_start3A_57 = arith.constant 0 : i32
        %dma_start3A_58 = tpu.memref_slice %arg2[%dma_start3A_56, %dma_start3A_57] : memref<10000x128xf32, #tpu.memory_space<hbm>> -> memref<10000x128xf32, #tpu.memory_space<hbm>>
        tpu.enqueue_indirect_dma source(%dma_start3A_58 : memref<10000x128xf32, #tpu.memory_space<hbm>>) target(%dma_start3A_52 : memref<128x128xf32, #tpu.memory_space<vmem>>) offsets(%dma_start3A_55 : memref<128xi32, #tpu.memory_space<vmem>>) semaphore(%arg12 : memref<!tpu.dma_semaphore, #tpu.memory_space<semaphore_mem>>)
        %dma_wait3A = arith.constant 0 : i32
        %dma_wait3A_59 = arith.constant 0 : i32
        %dma_wait3A_60 = tpu.memref_slice %arg9[%scan3A, %dma_wait3A, %dma_wait3A_59] : memref<2x128x128xf32, #tpu.memory_space<vmem>> -> memref<1x128x128xf32, #tpu.memory_space<vmem>>
        %dma_wait3A_61 = tpu.memref_squeeze %dma_wait3A_60 : memref<1x128x128xf32, #tpu.memory_space<vmem>> -> memref<128x128xf32, #tpu.memory_space<vmem>>
        %dma_wait3A_62 = arith.constant 0 : i32
        %dma_wait3A_63 = tpu.memref_slice %arg7[%add3A_46, %dma_wait3A_62] : memref<40x128xi32, #tpu.memory_space<vmem>> -> memref<1x128xi32, #tpu.memory_space<vmem>>
        %dma_wait3A_64 = tpu.memref_squeeze %dma_wait3A_63 : memref<1x128xi32, #tpu.memory_space<vmem>> -> memref<128xi32, #tpu.memory_space<vmem>>
        %dma_wait3A_65 = arith.constant 0 : i32
        %dma_wait3A_66 = arith.constant 0 : i32
        %dma_wait3A_67 = tpu.memref_slice %arg2[%dma_wait3A_65, %dma_wait3A_66] : memref<10000x128xf32, #tpu.memory_space<hbm>> -> memref<10000x128xf32, #tpu.memory_space<hbm>>
        tpu.wait_indirect_dma semaphore(%arg11 : memref<!tpu.dma_semaphore, #tpu.memory_space<semaphore_mem>>) src(%dma_wait3A_67 : memref<10000x128xf32, #tpu.memory_space<hbm>>) dst(%dma_wait3A_61 : memref<128x128xf32, #tpu.memory_space<vmem>>)
        "tpu.region"() ({
          %run_scoped3A = tpu.sem_alloc : memref<!tpu.dma_semaphore, #tpu.memory_space<semaphore_mem>>
          %dma_start3A_86 = arith.constant 0 : i32
          %dma_start3A_87 = arith.constant 0 : i32
          %dma_start3A_88 = tpu.memref_slice %arg9[%scan3A, %dma_start3A_86, %dma_start3A_87] : memref<2x128x128xf32, #tpu.memory_space<vmem>> -> memref<1x128x128xf32, #tpu.memory_space<vmem>>
          %dma_start3A_89 = tpu.memref_squeeze %dma_start3A_88 : memref<1x128x128xf32, #tpu.memory_space<vmem>> -> memref<128x128xf32, #tpu.memory_space<vmem>>
          %dma_start3A_90 = arith.constant 0 : i32
          %dma_start3A_91 = tpu.memref_slice %arg8[%add3A_46, %dma_start3A_90] : memref<40x128xi32, #tpu.memory_space<vmem>> -> memref<1x128xi32, #tpu.memory_space<vmem>>
          %dma_start3A_92 = tpu.memref_squeeze %dma_start3A_91 : memref<1x128xi32, #tpu.memory_space<vmem>> -> memref<128xi32, #tpu.memory_space<vmem>>
          %dma_start3A_93 = arith.constant 0 : i32
          %dma_start3A_94 = arith.constant 0 : i32
          %dma_start3A_95 = tpu.memref_slice %arg10[%dma_start3A_93, %dma_start3A_94] : memref<10112x128xf32, #tpu.memory_space<vmem_shared>> -> memref<10112x128xf32, #tpu.memory_space<vmem_shared>>
          tpu.enqueue_indirect_dma source(%dma_start3A_89 : memref<128x128xf32, #tpu.memory_space<vmem>>) target(%dma_start3A_95 : memref<10112x128xf32, #tpu.memory_space<vmem_shared>>) offsets(%dma_start3A_92 : memref<128xi32, #tpu.memory_space<vmem>>) semaphore(%run_scoped3A : memref<!tpu.dma_semaphore, #tpu.memory_space<semaphore_mem>>) {add = true}
          %dma_wait3A_96 = arith.constant 0 : i32
          %dma_wait3A_97 = arith.constant 0 : i32
          %dma_wait3A_98 = tpu.memref_slice %arg9[%scan3A, %dma_wait3A_96, %dma_wait3A_97] : memref<2x128x128xf32, #tpu.memory_space<vmem>> -> memref<1x128x128xf32, #tpu.memory_space<vmem>>
          %dma_wait3A_99 = tpu.memref_squeeze %dma_wait3A_98 : memref<1x128x128xf32, #tpu.memory_space<vmem>> -> memref<128x128xf32, #tpu.memory_space<vmem>>
          %dma_wait3A_100 = arith.constant 0 : i32
          %dma_wait3A_101 = tpu.memref_slice %arg8[%add3A_46, %dma_wait3A_100] : memref<40x128xi32, #tpu.memory_space<vmem>> -> memref<1x128xi32, #tpu.memory_space<vmem>>
          %dma_wait3A_102 = tpu.memref_squeeze %dma_wait3A_101 : memref<1x128xi32, #tpu.memory_space<vmem>> -> memref<128xi32, #tpu.memory_space<vmem>>
          %dma_wait3A_103 = arith.constant 0 : i32
          %dma_wait3A_104 = arith.constant 0 : i32
          %dma_wait3A_105 = tpu.memref_slice %arg10[%dma_wait3A_103, %dma_wait3A_104] : memref<10112x128xf32, #tpu.memory_space<vmem_shared>> -> memref<10112x128xf32, #tpu.memory_space<vmem_shared>>
          tpu.wait_indirect_dma semaphore(%run_scoped3A : memref<!tpu.dma_semaphore, #tpu.memory_space<semaphore_mem>>) src(%dma_wait3A_99 : memref<128x128xf32, #tpu.memory_space<vmem>>) dst(%dma_wait3A_105 : memref<10112x128xf32, #tpu.memory_space<vmem_shared>>)
          tpu.yield
        }) : () -> ()
        %add3A_68 = arith.constant 2 : i32
        %add3A_69 = arith.addi %add3A_46, %add3A_68 : i32
        %lt3A = arith.constant 40 : i32
        %lt3A_70 = arith.cmpi slt, %add3A_69, %lt3A : i32
        %convert_element_type3A = arith.extui %lt3A_70 : i1 to i32
        %cond3A = arith.constant 0 : i32
        %cond3A_71 = arith.cmpi ne, %convert_element_type3A, %cond3A : i32
        scf.if %cond3A_71 {
          %add3A_86 = arith.constant 2 : i32
          %add3A_87 = arith.addi %add3A_46, %add3A_86 : i32
          %dma_start3A_88 = arith.constant 0 : i32
          %dma_start3A_89 = arith.constant 0 : i32
          %dma_start3A_90 = tpu.memref_slice %arg9[%scan3A, %dma_start3A_88, %dma_start3A_89] : memref<2x128x128xf32, #tpu.memory_space<vmem>> -> memref<1x128x128xf32, #tpu.memory_space<vmem>>
          %dma_start3A_91 = tpu.memref_squeeze %dma_start3A_90 : memref<1x128x128xf32, #tpu.memory_space<vmem>> -> memref<128x128xf32, #tpu.memory_space<vmem>>
          %dma_start3A_92 = arith.constant 0 : i32
          %dma_start3A_93 = tpu.memref_slice %arg7[%add3A_87, %dma_start3A_92] : memref<40x128xi32, #tpu.memory_space<vmem>> -> memref<1x128xi32, #tpu.memory_space<vmem>>
          %dma_start3A_94 = tpu.memref_squeeze %dma_start3A_93 : memref<1x128xi32, #tpu.memory_space<vmem>> -> memref<128xi32, #tpu.memory_space<vmem>>
          %dma_start3A_95 = arith.constant 0 : i32
          %dma_start3A_96 = arith.constant 0 : i32
          %dma_start3A_97 = tpu.memref_slice %arg2[%dma_start3A_95, %dma_start3A_96] : memref<10000x128xf32, #tpu.memory_space<hbm>> -> memref<10000x128xf32, #tpu.memory_space<hbm>>
          tpu.enqueue_indirect_dma source(%dma_start3A_97 : memref<10000x128xf32, #tpu.memory_space<hbm>>) target(%dma_start3A_91 : memref<128x128xf32, #tpu.memory_space<vmem>>) offsets(%dma_start3A_94 : memref<128xi32, #tpu.memory_space<vmem>>) semaphore(%arg11 : memref<!tpu.dma_semaphore, #tpu.memory_space<semaphore_mem>>)
        } else {
        }
        %add3A_72 = arith.constant 1 : i32
        %add3A_73 = arith.addi %add3A_46, %add3A_72 : i32
        %dma_wait3A_74 = arith.constant 0 : i32
        %dma_wait3A_75 = arith.constant 0 : i32
        %dma_wait3A_76 = tpu.memref_slice %arg9[%scan3A_5, %dma_wait3A_74, %dma_wait3A_75] : memref<2x128x128xf32, #tpu.memory_space<vmem>> -> memref<1x128x128xf32, #tpu.memory_space<vmem>>
        %dma_wait3A_77 = tpu.memref_squeeze %dma_wait3A_76 : memref<1x128x128xf32, #tpu.memory_space<vmem>> -> memref<128x128xf32, #tpu.memory_space<vmem>>
        %dma_wait3A_78 = arith.constant 0 : i32
        %dma_wait3A_79 = tpu.memref_slice %arg7[%add3A_73, %dma_wait3A_78] : memref<40x128xi32, #tpu.memory_space<vmem>> -> memref<1x128xi32, #tpu.memory_space<vmem>>
        %dma_wait3A_80 = tpu.memref_squeeze %dma_wait3A_79 : memref<1x128xi32, #tpu.memory_space<vmem>> -> memref<128xi32, #tpu.memory_space<vmem>>
        %dma_wait3A_81 = arith.constant 0 : i32
        %dma_wait3A_82 = arith.constant 0 : i32
        %dma_wait3A_83 = tpu.memref_slice %arg2[%dma_wait3A_81, %dma_wait3A_82] : memref<10000x128xf32, #tpu.memory_space<hbm>> -> memref<10000x128xf32, #tpu.memory_space<hbm>>
        tpu.wait_indirect_dma semaphore(%arg12 : memref<!tpu.dma_semaphore, #tpu.memory_space<semaphore_mem>>) src(%dma_wait3A_83 : memref<10000x128xf32, #tpu.memory_space<hbm>>) dst(%dma_wait3A_77 : memref<128x128xf32, #tpu.memory_space<vmem>>)
        %add3A_84 = arith.constant 1 : i32
        %add3A_85 = arith.addi %add3A_46, %add3A_84 : i32
        "tpu.region"() ({
          %run_scoped3A = tpu.sem_alloc : memref<!tpu.dma_semaphore, #tpu.memory_space<semaphore_mem>>
          %dma_start3A_86 = arith.constant 0 : i32
          %dma_start3A_87 = arith.constant 0 : i32
          %dma_start3A_88 = tpu.memref_slice %arg9[%scan3A_5, %dma_start3A_86, %dma_start3A_87] : memref<2x128x128xf32, #tpu.memory_space<vmem>> -> memref<1x128x128xf32, #tpu.memory_space<vmem>>
          %dma_start3A_89 = tpu.memref_squeeze %dma_start3A_88 : memref<1x128x128xf32, #tpu.memory_space<vmem>> -> memref<128x128xf32, #tpu.memory_space<vmem>>
          %dma_start3A_90 = arith.constant 0 : i32
          %dma_start3A_91 = tpu.memref_slice %arg8[%add3A_85, %dma_start3A_90] : memref<40x128xi32, #tpu.memory_space<vmem>> -> memref<1x128xi32, #tpu.memory_space<vmem>>
          %dma_start3A_92 = tpu.memref_squeeze %dma_start3A_91 : memref<1x128xi32, #tpu.memory_space<vmem>> -> memref<128xi32, #tpu.memory_space<vmem>>
          %dma_start3A_93 = arith.constant 0 : i32
          %dma_start3A_94 = arith.constant 0 : i32
          %dma_start3A_95 = tpu.memref_slice %arg10[%dma_start3A_93, %dma_start3A_94] : memref<10112x128xf32, #tpu.memory_space<vmem_shared>> -> memref<10112x128xf32, #tpu.memory_space<vmem_shared>>
          tpu.enqueue_indirect_dma source(%dma_start3A_89 : memref<128x128xf32, #tpu.memory_space<vmem>>) target(%dma_start3A_95 : memref<10112x128xf32, #tpu.memory_space<vmem_shared>>) offsets(%dma_start3A_92 : memref<128xi32, #tpu.memory_space<vmem>>) semaphore(%run_scoped3A : memref<!tpu.dma_semaphore, #tpu.memory_space<semaphore_mem>>) {add = true}
          %dma_wait3A_96 = arith.constant 0 : i32
          %dma_wait3A_97 = arith.constant 0 : i32
          %dma_wait3A_98 = tpu.memref_slice %arg9[%scan3A_5, %dma_wait3A_96, %dma_wait3A_97] : memref<2x128x128xf32, #tpu.memory_space<vmem>> -> memref<1x128x128xf32, #tpu.memory_space<vmem>>
          %dma_wait3A_99 = tpu.memref_squeeze %dma_wait3A_98 : memref<1x128x128xf32, #tpu.memory_space<vmem>> -> memref<128x128xf32, #tpu.memory_space<vmem>>
          %dma_wait3A_100 = arith.constant 0 : i32
          %dma_wait3A_101 = tpu.memref_slice %arg8[%add3A_85, %dma_wait3A_100] : memref<40x128xi32, #tpu.memory_space<vmem>> -> memref<1x128xi32, #tpu.memory_space<vmem>>
          %dma_wait3A_102 = tpu.memref_squeeze %dma_wait3A_101 : memref<1x128xi32, #tpu.memory_space<vmem>> -> memref<128xi32, #tpu.memory_space<vmem>>
          %dma_wait3A_103 = arith.constant 0 : i32
          %dma_wait3A_104 = arith.constant 0 : i32
          %dma_wait3A_105 = tpu.memref_slice %arg10[%dma_wait3A_103, %dma_wait3A_104] : memref<10112x128xf32, #tpu.memory_space<vmem_shared>> -> memref<10112x128xf32, #tpu.memory_space<vmem_shared>>
          tpu.wait_indirect_dma semaphore(%run_scoped3A : memref<!tpu.dma_semaphore, #tpu.memory_space<semaphore_mem>>) src(%dma_wait3A_99 : memref<128x128xf32, #tpu.memory_space<vmem>>) dst(%dma_wait3A_105 : memref<10112x128xf32, #tpu.memory_space<vmem_shared>>)
          tpu.yield
        }) : () -> ()
      }
      %scan3A_41 = arith.constant 20 : i32
    }
    %scan3A_10 = arith.constant 2 : i32
    %barrier3A_11 = arith.constant 0 : index
    tpu.barrier barrier_id(%barrier3A_11)
    %mul3A_12 = arith.constant 632 : i32
    %mul3A_13 = arith.muli %arg1, %mul3A_12 : i32
    %mul3A_14 = arith.constant 632 : i32
    %mul3A_15 = arith.muli %arg1, %mul3A_14 : i32
    "tpu.region"() ({
      %run_scoped3A = tpu.sem_alloc : memref<!tpu.dma_semaphore, #tpu.memory_space<semaphore_mem>>
      %dma_start3A = arith.constant 0 : i32
      %dma_start3A_16 = tpu.memref_slice %arg6[%arg0, %mul3A_15, %dma_start3A] : memref<2x10112x128xf32, #tpu.memory_space<hbm>> -> memref<1x632x128xf32, #tpu.memory_space<hbm>>
      %dma_start3A_17 = tpu.memref_squeeze %dma_start3A_16 : memref<1x632x128xf32, #tpu.memory_space<hbm>> -> memref<632x128xf32, #tpu.memory_space<hbm>>
      %dma_start3A_18 = arith.constant 0 : i32
      %dma_start3A_19 = tpu.memref_slice %arg10[%mul3A_13, %dma_start3A_18] : memref<10112x128xf32, #tpu.memory_space<vmem_shared>> -> memref<632x128xf32, #tpu.memory_space<vmem_shared>>
      tpu.enqueue_dma source(%dma_start3A_19 : memref<632x128xf32, #tpu.memory_space<vmem_shared>>) target(%dma_start3A_17 : memref<632x128xf32, #tpu.memory_space<hbm>>) target_semaphore(%run_scoped3A : memref<!tpu.dma_semaphore, #tpu.memory_space<semaphore_mem>>)
      %dma_wait3A = arith.constant 0 : i32
      %dma_wait3A_20 = tpu.memref_slice %arg6[%arg0, %mul3A_15, %dma_wait3A] : memref<2x10112x128xf32, #tpu.memory_space<hbm>> -> memref<1x632x128xf32, #tpu.memory_space<hbm>>
      %dma_wait3A_21 = tpu.memref_squeeze %dma_wait3A_20 : memref<1x632x128xf32, #tpu.memory_space<hbm>> -> memref<632x128xf32, #tpu.memory_space<hbm>>
      %dma_wait3A_22 = arith.constant 0 : i32
      %dma_wait3A_23 = tpu.memref_slice %arg10[%mul3A_13, %dma_wait3A_22] : memref<10112x128xf32, #tpu.memory_space<vmem_shared>> -> memref<632x128xf32, #tpu.memory_space<vmem_shared>>
      tpu.wait_dma2 semaphore(%run_scoped3A : memref<!tpu.dma_semaphore, #tpu.memory_space<semaphore_mem>>) src(%dma_wait3A_23 : memref<632x128xf32, #tpu.memory_space<vmem_shared>>) dst(%dma_wait3A_21 : memref<632x128xf32, #tpu.memory_space<hbm>>)
      tpu.yield
    }) : () -> ()
    return
  }
}

module attributes {stable_mosaic.version = 14 : i64} {
  func.func @body(%arg0: i32, %arg1: memref<2x2000x16xf32, #tpu.memory_space<vmem>>, %arg2: memref<2000x128xf32, #tpu.memory_space<vmem>>, %arg3: memref<2000x1xf32, #tpu.memory_space<vmem>>, %arg4: memref<2000x128xf32, #tpu.memory_space<vmem>>) attributes {dimension_semantics = [#tpu.dimension_semantics<arbitrary>], iteration_bounds = array<i64: 5>, scalar_prefetch = 0 : i64, scratch_operands = 0 : i64, tpu.core_type = #tpu.core_type<tc>, window_params = [{transform_indices = @transform_0, window_bounds = array<i64: 2, 2000, 16>}, {transform_indices = @transform_1, window_bounds = array<i64: 2000, 128>}, {transform_indices = @transform_2, window_bounds = array<i64: 2000, 1>}, {transform_indices = @transform_3, window_bounds = array<i64: 2000, 128>}]} {
    %get3A = arith.constant 0 : index
    %get3A_0 = arith.constant 0 : index
    %get3A_1 = arith.constant 0 : index
    %get3A_2 = vector.load %arg1[%get3A, %get3A_0, %get3A_1] : memref<2x2000x16xf32, #tpu.memory_space<vmem>>, vector<1x2000x1xf32>
    %get3A_3 = vector.shape_cast %get3A_2 : vector<1x2000x1xf32> to vector<2000x1xf32>
    %get3A_4 = arith.constant 1 : index
    %get3A_5 = arith.constant 0 : index
    %get3A_6 = arith.constant 0 : index
    %get3A_7 = vector.load %arg1[%get3A_4, %get3A_5, %get3A_6] : memref<2x2000x16xf32, #tpu.memory_space<vmem>>, vector<1x2000x1xf32>
    %get3A_8 = vector.shape_cast %get3A_7 : vector<1x2000x1xf32> to vector<2000x1xf32>
    %add3A = arith.addf %get3A_3, %get3A_8 : vector<2000x1xf32>
    %add3A_9 = arith.constant 1.000000e+00 : f32
    %add3A_10 = vector.broadcast %add3A_9 : f32 to vector<2000x1xf32>
    %add3A_11 = arith.addf %add3A, %add3A_10 : vector<2000x1xf32>
    %rsqrt3A = math.rsqrt %add3A_11 : vector<2000x1xf32>
    %swap3A = arith.constant 0 : index
    %swap3A_12 = arith.constant 0 : index
    %swap3A_13 = vector.load %arg3[%swap3A, %swap3A_12] : memref<2000x1xf32, #tpu.memory_space<vmem>>, vector<2000x1xf32>
    tpu.vector_store %arg3[%swap3A, %swap3A_12], %rsqrt3A {strides = array<i32>} : memref<2000x1xf32, #tpu.memory_space<vmem>>, vector<2000x1xf32>,
    %get3A_14 = arith.constant 0 : index
    %get3A_15 = arith.constant 0 : index
    %get3A_16 = vector.load %arg2[%get3A_14, %get3A_15] : memref<2000x128xf32, #tpu.memory_space<vmem>>, vector<2000x128xf32>
    %mul3A = vector.broadcast %rsqrt3A : vector<2000x1xf32> to vector<2000x128xf32>
    %mul3A_17 = arith.mulf %get3A_16, %mul3A : vector<2000x128xf32>
    %swap3A_18 = arith.constant 0 : index
    %swap3A_19 = arith.constant 0 : index
    %swap3A_20 = vector.load %arg4[%swap3A_18, %swap3A_19] : memref<2000x128xf32, #tpu.memory_space<vmem>>, vector<2000x128xf32>
    tpu.vector_store %arg4[%swap3A_18, %swap3A_19], %mul3A_17 {strides = array<i32>} : memref<2000x128xf32, #tpu.memory_space<vmem>>, vector<2000x128xf32>,
    return
  }
  func.func @transform_0(%arg0: i32) -> (i32, i32, i32) {
    %c0_i32 = arith.constant 0 : i32
    %c0_i32_0 = arith.constant 0 : i32
    %c0_i32_1 = arith.constant 0 : i32
    return %c0_i32, %arg0, %c0_i32_0 : i32, i32, i32
  }
  func.func @transform_1(%arg0: i32) -> (i32, i32) {
    %c0_i32 = arith.constant 0 : i32
    %c0_i32_0 = arith.constant 0 : i32
    return %arg0, %c0_i32 : i32, i32
  }
  func.func @transform_2(%arg0: i32) -> (i32, i32) {
    %c0_i32 = arith.constant 0 : i32
    %c0_i32_0 = arith.constant 0 : i32
    return %arg0, %c0_i32 : i32, i32
  }
  func.func @transform_3(%arg0: i32) -> (i32, i32) {
    %c0_i32 = arith.constant 0 : i32
    %c0_i32_0 = arith.constant 0 : i32
    return %arg0, %c0_i32 : i32, i32
  }
}

module attributes {stable_mosaic.version = 14 : i64} {
  func.func @body(%arg0: i32, %arg1: memref<2000x128xf32, #tpu.memory_space<vmem>>, %arg2: memref<128x128xf32, #tpu.memory_space<vmem>>, %arg3: memref<2000x128xf32, #tpu.memory_space<vmem>>) attributes {dimension_semantics = [#tpu.dimension_semantics<arbitrary>], iteration_bounds = array<i64: 5>, scalar_prefetch = 0 : i64, scratch_operands = 0 : i64, tpu.core_type = #tpu.core_type<tc>, window_params = [{transform_indices = @transform_0, window_bounds = array<i64: 2000, 128>}, {pipeline_mode = #tpu.pipeline_mode<synchronous>, transform_indices = @transform_1, window_bounds = array<i64: 128, 128>}, {transform_indices = @transform_2, window_bounds = array<i64: 2000, 128>}]} {
    %get3A = arith.constant 0 : index
    %get3A_0 = arith.constant 0 : index
    %get3A_1 = vector.load %arg1[%get3A, %get3A_0] : memref<2000x128xf32, #tpu.memory_space<vmem>>, vector<2000x128xf32>
    %get3A_2 = arith.constant 0 : index
    %get3A_3 = arith.constant 0 : index
    %get3A_4 = vector.load %arg2[%get3A_2, %get3A_3] : memref<128x128xf32, #tpu.memory_space<vmem>>, vector<128x128xf32>
    %dot_general3A = arith.constant dense<0.000000e+00> : vector<2000x128xf32>
    %dot_general3A_5 = tpu.matmul %get3A_1, %get3A_4, %dot_general3A {dimension_numbers = #tpu.dot_dimension_numbers<[1], [0], [0], [1], [0, 0, 1, 1], [], []>, precision = #tpu.contract_precision<fp32>, transpose_lhs_hint = false} : vector<2000x128xf32>, vector<128x128xf32>, vector<2000x128xf32> -> vector<2000x128xf32>
    %swap3A = arith.constant 0 : index
    %swap3A_6 = arith.constant 0 : index
    %swap3A_7 = vector.load %arg3[%swap3A, %swap3A_6] : memref<2000x128xf32, #tpu.memory_space<vmem>>, vector<2000x128xf32>
    tpu.vector_store %arg3[%swap3A, %swap3A_6], %dot_general3A_5 {strides = array<i32>} : memref<2000x128xf32, #tpu.memory_space<vmem>>, vector<2000x128xf32>,
    return
  }
  func.func @transform_0(%arg0: i32) -> (i32, i32) {
    %c0_i32 = arith.constant 0 : i32
    %c0_i32_0 = arith.constant 0 : i32
    return %arg0, %c0_i32 : i32, i32
  }
  func.func @transform_1(%arg0: i32) -> (i32, i32) {
    %c0_i32 = arith.constant 0 : i32
    %c0_i32_0 = arith.constant 0 : i32
    %c0_i32_1 = arith.constant 0 : i32
    return %c0_i32, %c0_i32_0 : i32, i32
  }
  func.func @transform_2(%arg0: i32) -> (i32, i32) {
    %c0_i32 = arith.constant 0 : i32
    %c0_i32_0 = arith.constant 0 : i32
    return %arg0, %c0_i32 : i32, i32
  }
}

module attributes {stable_mosaic.version = 14 : i64} {
  func.func @body(%arg0: i32, %arg1: memref<2x2000x128xf32, #tpu.memory_space<vmem>>, %arg2: memref<2000x128xf32, #tpu.memory_space<vmem>>, %arg3: memref<2000x1xf32, #tpu.memory_space<vmem>>, %arg4: memref<1x128xf32, #tpu.memory_space<vmem>>, %arg5: memref<128x128xf32, #tpu.memory_space<vmem>>, %arg6: memref<2000x128xf32, #tpu.memory_space<vmem>>) attributes {dimension_semantics = [#tpu.dimension_semantics<arbitrary>], iteration_bounds = array<i64: 5>, scalar_prefetch = 0 : i64, scratch_operands = 0 : i64, tpu.core_type = #tpu.core_type<tc>, window_params = [{transform_indices = @transform_0, window_bounds = array<i64: 2, 2000, 128>}, {transform_indices = @transform_1, window_bounds = array<i64: 2000, 128>}, {transform_indices = @transform_2, window_bounds = array<i64: 2000, 1>}, {pipeline_mode = #tpu.pipeline_mode<synchronous>, transform_indices = @transform_3, window_bounds = array<i64: 1, 128>}, {pipeline_mode = #tpu.pipeline_mode<synchronous>, transform_indices = @transform_4, window_bounds = array<i64: 128, 128>}, {transform_indices = @transform_5, window_bounds = array<i64: 2000, 128>}]} {
    %get3A = arith.constant 0 : index
    %get3A_0 = arith.constant 0 : index
    %get3A_1 = arith.constant 0 : index
    %get3A_2 = vector.load %arg1[%get3A, %get3A_0, %get3A_1] : memref<2x2000x128xf32, #tpu.memory_space<vmem>>, vector<1x2000x128xf32>
    %get3A_3 = vector.shape_cast %get3A_2 : vector<1x2000x128xf32> to vector<2000x128xf32>
    %get3A_4 = arith.constant 1 : index
    %get3A_5 = arith.constant 0 : index
    %get3A_6 = arith.constant 0 : index
    %get3A_7 = vector.load %arg1[%get3A_4, %get3A_5, %get3A_6] : memref<2x2000x128xf32, #tpu.memory_space<vmem>>, vector<1x2000x128xf32>
    %get3A_8 = vector.shape_cast %get3A_7 : vector<1x2000x128xf32> to vector<2000x128xf32>
    %add3A = arith.addf %get3A_3, %get3A_8 : vector<2000x128xf32>
    %get3A_9 = arith.constant 0 : index
    %get3A_10 = arith.constant 0 : index
    %get3A_11 = vector.load %arg2[%get3A_9, %get3A_10] : memref<2000x128xf32, #tpu.memory_space<vmem>>, vector<2000x128xf32>
    %add3A_12 = arith.addf %add3A, %get3A_11 : vector<2000x128xf32>
    %get3A_13 = arith.constant 0 : index
    %get3A_14 = arith.constant 0 : index
    %get3A_15 = vector.load %arg3[%get3A_13, %get3A_14] : memref<2000x1xf32, #tpu.memory_space<vmem>>, vector<2000x1xf32>
    %mul3A = vector.broadcast %get3A_15 : vector<2000x1xf32> to vector<2000x128xf32>
    %mul3A_16 = arith.mulf %mul3A, %add3A_12 : vector<2000x128xf32>
    %get3A_17 = arith.constant 0 : index
    %get3A_18 = arith.constant 0 : index
    %get3A_19 = vector.load %arg4[%get3A_17, %get3A_18] : memref<1x128xf32, #tpu.memory_space<vmem>>, vector<1x128xf32>
    %add3A_20 = vector.broadcast %get3A_19 : vector<1x128xf32> to vector<2000x128xf32>
    %add3A_21 = arith.addf %mul3A_16, %add3A_20 : vector<2000x128xf32>
    %max3A = arith.constant 0.000000e+00 : f32
    %max3A_22 = vector.broadcast %max3A : f32 to vector<2000x128xf32>
    %max3A_23 = arith.maximumf %add3A_21, %max3A_22 : vector<2000x128xf32>
    %get3A_24 = arith.constant 0 : index
    %get3A_25 = arith.constant 0 : index
    %get3A_26 = vector.load %arg5[%get3A_24, %get3A_25] : memref<128x128xf32, #tpu.memory_space<vmem>>, vector<128x128xf32>
    %dot_general3A = arith.constant dense<0.000000e+00> : vector<2000x128xf32>
    %dot_general3A_27 = tpu.matmul %max3A_23, %get3A_26, %dot_general3A {dimension_numbers = #tpu.dot_dimension_numbers<[1], [0], [0], [1], [0, 0, 1, 1], [], []>, precision = #tpu.contract_precision<fp32>, transpose_lhs_hint = false} : vector<2000x128xf32>, vector<128x128xf32>, vector<2000x128xf32> -> vector<2000x128xf32>
    %get3A_28 = arith.constant 0 : index
    %get3A_29 = arith.constant 0 : index
    %get3A_30 = vector.load %arg3[%get3A_28, %get3A_29] : memref<2000x1xf32, #tpu.memory_space<vmem>>, vector<2000x1xf32>
    %mul3A_31 = vector.broadcast %get3A_30 : vector<2000x1xf32> to vector<2000x128xf32>
    %mul3A_32 = arith.mulf %dot_general3A_27, %mul3A_31 : vector<2000x128xf32>
    %swap3A = arith.constant 0 : index
    %swap3A_33 = arith.constant 0 : index
    %swap3A_34 = vector.load %arg6[%swap3A, %swap3A_33] : memref<2000x128xf32, #tpu.memory_space<vmem>>, vector<2000x128xf32>
    tpu.vector_store %arg6[%swap3A, %swap3A_33], %mul3A_32 {strides = array<i32>} : memref<2000x128xf32, #tpu.memory_space<vmem>>, vector<2000x128xf32>,
    return
  }
  func.func @transform_0(%arg0: i32) -> (i32, i32, i32) {
    %c0_i32 = arith.constant 0 : i32
    %c0_i32_0 = arith.constant 0 : i32
    %c0_i32_1 = arith.constant 0 : i32
    return %c0_i32, %arg0, %c0_i32_0 : i32, i32, i32
  }
  func.func @transform_1(%arg0: i32) -> (i32, i32) {
    %c0_i32 = arith.constant 0 : i32
    %c0_i32_0 = arith.constant 0 : i32
    return %arg0, %c0_i32 : i32, i32
  }
  func.func @transform_2(%arg0: i32) -> (i32, i32) {
    %c0_i32 = arith.constant 0 : i32
    %c0_i32_0 = arith.constant 0 : i32
    return %arg0, %c0_i32 : i32, i32
  }
  func.func @transform_3(%arg0: i32) -> (i32, i32) {
    %c0_i32 = arith.constant 0 : i32
    %c0_i32_0 = arith.constant 0 : i32
    %c0_i32_1 = arith.constant 0 : i32
    return %c0_i32, %c0_i32_0 : i32, i32
  }
  func.func @transform_4(%arg0: i32) -> (i32, i32) {
    %c0_i32 = arith.constant 0 : i32
    %c0_i32_0 = arith.constant 0 : i32
    %c0_i32_1 = arith.constant 0 : i32
    return %c0_i32, %c0_i32_0 : i32, i32
  }
  func.func @transform_5(%arg0: i32) -> (i32, i32) {
    %c0_i32 = arith.constant 0 : i32
    %c0_i32_0 = arith.constant 0 : i32
    return %arg0, %c0_i32 : i32, i32
  }
}

module attributes {stable_mosaic.version = 14 : i64} {
  func.func @body(%arg0: i32, %arg1: memref<2x2000x128xf32, #tpu.memory_space<vmem>>, %arg2: memref<2000x128xf32, #tpu.memory_space<vmem>>, %arg3: memref<2000x1xf32, #tpu.memory_space<vmem>>, %arg4: memref<1x128xf32, #tpu.memory_space<vmem>>, %arg5: memref<2000x64xf32, #tpu.memory_space<vmem>>) attributes {dimension_semantics = [#tpu.dimension_semantics<arbitrary>], iteration_bounds = array<i64: 5>, scalar_prefetch = 0 : i64, scratch_operands = 0 : i64, tpu.core_type = #tpu.core_type<tc>, window_params = [{transform_indices = @transform_0, window_bounds = array<i64: 2, 2000, 128>}, {transform_indices = @transform_1, window_bounds = array<i64: 2000, 128>}, {transform_indices = @transform_2, window_bounds = array<i64: 2000, 1>}, {pipeline_mode = #tpu.pipeline_mode<synchronous>, transform_indices = @transform_3, window_bounds = array<i64: 1, 128>}, {transform_indices = @transform_4, window_bounds = array<i64: 2000, 64>}]} {
    %get3A = arith.constant 0 : index
    %get3A_0 = arith.constant 0 : index
    %get3A_1 = vector.load %arg3[%get3A, %get3A_0] : memref<2000x1xf32, #tpu.memory_space<vmem>>, vector<2000x1xf32>
    %get3A_2 = arith.constant 0 : index
    %get3A_3 = arith.constant 0 : index
    %get3A_4 = arith.constant 0 : index
    %get3A_5 = vector.load %arg1[%get3A_2, %get3A_3, %get3A_4] : memref<2x2000x128xf32, #tpu.memory_space<vmem>>, vector<1x2000x128xf32>
    %get3A_6 = vector.shape_cast %get3A_5 : vector<1x2000x128xf32> to vector<2000x128xf32>
    %get3A_7 = arith.constant 1 : index
    %get3A_8 = arith.constant 0 : index
    %get3A_9 = arith.constant 0 : index
    %get3A_10 = vector.load %arg1[%get3A_7, %get3A_8, %get3A_9] : memref<2x2000x128xf32, #tpu.memory_space<vmem>>, vector<1x2000x128xf32>
    %get3A_11 = vector.shape_cast %get3A_10 : vector<1x2000x128xf32> to vector<2000x128xf32>
    %add3A = arith.addf %get3A_6, %get3A_11 : vector<2000x128xf32>
    %get3A_12 = arith.constant 0 : index
    %get3A_13 = arith.constant 0 : index
    %get3A_14 = vector.load %arg2[%get3A_12, %get3A_13] : memref<2000x128xf32, #tpu.memory_space<vmem>>, vector<2000x128xf32>
    %add3A_15 = arith.addf %add3A, %get3A_14 : vector<2000x128xf32>
    %mul3A = vector.broadcast %get3A_1 : vector<2000x1xf32> to vector<2000x128xf32>
    %mul3A_16 = arith.mulf %mul3A, %add3A_15 : vector<2000x128xf32>
    %get3A_17 = arith.constant 0 : index
    %get3A_18 = arith.constant 0 : index
    %get3A_19 = vector.load %arg4[%get3A_17, %get3A_18] : memref<1x128xf32, #tpu.memory_space<vmem>>, vector<1x128xf32>
    %add3A_20 = vector.broadcast %get3A_19 : vector<1x128xf32> to vector<2000x128xf32>
    %add3A_21 = arith.addf %mul3A_16, %add3A_20 : vector<2000x128xf32>
    %mul3A_22 = arith.mulf %add3A_21, %add3A_21 : vector<2000x128xf32>
    %reduce_sum3A = arith.constant dense<0.000000e+00> : vector<2000xf32>
    %reduce_sum3A_23 = vector.multi_reduction <add>, %mul3A_22, %reduce_sum3A [1] : vector<2000x128xf32> to vector<2000xf32>
    %broadcast_in_dim3A = vector.shape_cast %reduce_sum3A_23 : vector<2000xf32> to vector<2000x1xf32>
    %max3A = arith.constant 1.000000e-24 : f32
    %max3A_24 = vector.broadcast %max3A : f32 to vector<2000x1xf32>
    %max3A_25 = arith.maximumf %broadcast_in_dim3A, %max3A_24 : vector<2000x1xf32>
    %rsqrt3A = math.rsqrt %max3A_25 : vector<2000x1xf32>
    %mul3A_26 = vector.broadcast %rsqrt3A : vector<2000x1xf32> to vector<2000x128xf32>
    %mul3A_27 = arith.mulf %add3A_21, %mul3A_26 : vector<2000x128xf32>
    %slice3A = vector.extract_strided_slice %mul3A_27 {offsets = [0, 0], sizes = [2000, 64], strides = [1, 1]} : vector<2000x128xf32> to vector<2000x64xf32>
    %swap3A = arith.constant 0 : index
    %swap3A_28 = arith.constant 0 : index
    %swap3A_29 = vector.load %arg5[%swap3A, %swap3A_28] : memref<2000x64xf32, #tpu.memory_space<vmem>>, vector<2000x64xf32>
    tpu.vector_store %arg5[%swap3A, %swap3A_28], %slice3A {strides = array<i32>} : memref<2000x64xf32, #tpu.memory_space<vmem>>, vector<2000x64xf32>,
    return
  }
  func.func @transform_0(%arg0: i32) -> (i32, i32, i32) {
    %c0_i32 = arith.constant 0 : i32
    %c0_i32_0 = arith.constant 0 : i32
    %c0_i32_1 = arith.constant 0 : i32
    return %c0_i32, %arg0, %c0_i32_0 : i32, i32, i32
  }
  func.func @transform_1(%arg0: i32) -> (i32, i32) {
    %c0_i32 = arith.constant 0 : i32
    %c0_i32_0 = arith.constant 0 : i32
    return %arg0, %c0_i32 : i32, i32
  }
  func.func @transform_2(%arg0: i32) -> (i32, i32) {
    %c0_i32 = arith.constant 0 : i32
    %c0_i32_0 = arith.constant 0 : i32
    return %arg0, %c0_i32 : i32, i32
  }
  func.func @transform_3(%arg0: i32) -> (i32, i32) {
    %c0_i32 = arith.constant 0 : i32
    %c0_i32_0 = arith.constant 0 : i32
    %c0_i32_1 = arith.constant 0 : i32
    return %c0_i32, %c0_i32_0 : i32, i32
  }
  func.func @transform_4(%arg0: i32) -> (i32, i32) {
    %c0_i32 = arith.constant 0 : i32
    %c0_i32_0 = arith.constant 0 : i32
    return %arg0, %c0_i32 : i32, i32
  }
}

</mosaic_0001>

<sc_bundles>
// kernel: kernel.11.cloned.1.call-start
scs
__scs_entry_jumppad:
0x0: {  	(pc) =	sbr.rel $0x88, $3  }
0x1: {  	(tag) =	ssettag $0x0;
	lr =	simm.s32 $0x1  }
0x2: {  	[smem:$0x3F99] =	sst lr;
	_ =	strace $0xD0000000  }
0x3: {  	_ = 	snop  }
0x4: {  	_ = 	snop  }
0x5: {  	_ = 	snop  }
0x6: {  	_ = 	snop  }
0x7: {  	_ = 	snop  }
__scs_overlays_trampoline_lowered:
0x8: {  	[smem:$0x3FA8] =	sst s0  }
0x9: {  	[smem:$0x3FA9] =	sst s1  }
0xa: {  	[smem:$0x3FAA] =	sst s2  }
0xb: {  	[smem:$0x3FAB] =	sst s3  }
0xc: {  	[smem:$0x3FAC] =	sst s4  }
0xd: {  	[smem:$0x3FAD] =	sst s5  }
0xe: {  	[smem:$0x3FAE] =	sst s6  }
0xf: {  	[smem:$0x3FAF] =	sst s7  }
0x10: {  	[smem:$0x3FB0] =	sst s8  }
0x11: {  	[smem:$0x3FB1] =	sst s9;
	s0 =	simm.s32 @!p0 $0x0  }
0x12: {  	s1 =	sld [smem:$0x3F97];
	s0 =	simm.s32 @p0 $0x1  }
0x13: {  	[smem:$0x3FB2] =	sst s0;
	s0 =	simm.s32 @!p1 $0x0  }
0x14: {  	s2 =	sld [smem:$0x3F96];
	s0 =	simm.s32 @p1 $0x1  }
0x15: {  	[smem:$0x3FB3] =	sst s0;
	s0 =	simm.s32 @!p2 $0x0  }
0x16: {  	s3 =	sld [smem:$0x3FDB];
	s0 =	simm.s32 @p2 $0x1  }
0x17: {  	s4 =	simm.s32 $0x1BF5;
	[smem:$0x3FB5] =	sst s0  }
0x18: {  	s0 =	sld [smem:$0x3F98];
	_ =	swait.ge [sflag:s4], $0x0  }
0x19: {  	s7 =	sld [smem:$0x3F99]  }
0x1a: {  	s8 =	sadd.s32 $0xFFFFE003, lr  }
0x1b: {  	s9 =	sadd.s32 $0xFFFFFEF7, lr;
	s5 =	simm.s32 $0xFFFFFFFF;
	p2 =	slt.u32 s8, $0xFFFFF086  }
0x1c: {  	p1 =	slt.u32 s9, $0xF7A;
	s5 =	simm.s32 @!p2 $0x0  }
0x1d: {  	s5 =	simm.s32 @p1 $0x1;
	p0 =	seq.s32 s7, s2  }
0x1e: {  	s7 =	smul.u32 @!p0 $0xF7A, s2;
	p2 =	seq.s32 @!p0 s5, $0x0  }
0x1f: {  	s9 =	smul.u32 $0xF7A, s1;
	s8 =	simm.s32 @!p0 $0x1BF5;
	p2 =	por !p2, p0  }
0x20: {  	[sflag:s8] =	ssyncset.s32 @!p0 $0xFFFFF086;
	s6 =	sadd.s32 @!p0 s3, s7;
	s7 =	simm.s32 @!p0 $0x108  }
0x21: {  	s3 =	sadd.s32 s3, s9;
	s6 =	sadd.s32 @!p0 $0x88, s6;
	s7 =	simm.s32 @p2 $0x1082  }
0x22: {  	[simem:s7], [sflag:s8] =	dma.local @!p0 [hbm:s6], $0xF7A  }
0x23: {  	s9 =	sor.u32 $0xD0000000, s2;
	s6 =	simm.s32 $0x108;
	_ =	swait.ge @!p0 [sflag:s8], $0x0  }
0x24: {  	s3 =	sadd.s32 $0x88, s3;
	s6 =	simm.s32 @!p1 $0x1082;
	[sflag:s4] =	ssyncset.s32 $0xFFFFF086  }
0x25: {  	[simem:s6], [sflag:s4] =	dma.local [hbm:s3], $0xF7A  }
0x26: {  	[smem:$0x3F99] =	sst s1;
	(tag) =	ssettag s2;
	_ =	strace s9  }
0x27: {  	s1 =	sld [smem:$0x3FA9]  }
0x28: {  	s2 =	sld [smem:$0x3FAA]  }
0x29: {  	s4 =	sld [smem:$0x3FAC]  }
0x2a: {  	p0 =	seq.s32 s5, $0x0;
	s5 =	sld [smem:$0x3FAD]  }
0x2b: {  	s6 =	sld [smem:$0x3FAE]  }
0x2c: {  	s7 =	sld [smem:$0x3FAF]  }
0x2d: {  	s3 =	simm.s32 $0x108;
	s8 =	sld [smem:$0x3FB0]  }
0x2e: {  	s3 =	simm.s32 @!p0 $0x1082;
	s9 =	sld [smem:$0x3FB1]  }
0x2f: {  	lr =	sadd.s32 s0, s3;
	s0 =	sld [smem:$0x3FA8]  }
0x30: {  	s3 =	sld [smem:$0x3FAB]  }
0x31: {  	[smem:$0x3FB4] =	sst s10  }
0x32: {  	s10 =	sld [smem:$0x3FB2];
	_ =	sdelay $0x3  }
0x33: {  	p0 =	seq.s32 s10, $0x1;
	s10 =	sld [smem:$0x3FB4];
	_ =	sdelay $0x3  }
0x34: {  	[smem:$0x3FB4] =	sst s10  }
0x35: {  	s10 =	sld [smem:$0x3FB3];
	_ =	sdelay $0x3  }
0x36: {  	p1 =	seq.s32 s10, $0x1;
	s10 =	sld [smem:$0x3FB4];
	_ =	sdelay $0x3  }
0x37: {  	[smem:$0x3FB4] =	sst s10  }
0x38: {  	s10 =	sld [smem:$0x3FB5]  }
0x39: {  	_ = 	snop;
	(pc) =	sbr.ind lr, $3  }
0x3a: {  	_ = 	snop  }
0x3b: {  	_ = 	snop  }
0x3c: {  	p2 =	seq.s32 s10, $0x1;
	s10 =	sld [smem:$0x3FB4]  }
0x3d: {  	_ =	shalt  }
0x3e: {  	_ =	shalt  }
0x3f: {  	_ =	shalt  }
0x40: {  	_ =	shalt  }
0x41: {  	_ =	shalt  }
0x42: {  	_ =	shalt  }
0x43: {  	_ =	shalt  }
0x44: {  	_ =	shalt  }
0x45: {  	_ =	shalt  }
0x46: {  	_ =	shalt  }
0x47: {  	_ =	shalt  }
0x48: {  	_ =	shalt  }
0x49: {  	_ =	shalt  }
0x4a: {  	_ =	shalt  }
0x4b: {  	_ =	shalt  }
0x4c: {  	_ =	shalt  }
0x4d: {  	_ =	shalt  }
0x4e: {  	_ =	shalt  }
0x4f: {  	_ =	shalt  }
0x50: {  	_ =	shalt  }
0x51: {  	_ =	shalt  }
0x52: {  	_ =	shalt  }
0x53: {  	_ =	shalt  }
0x54: {  	_ =	shalt  }
0x55: {  	_ =	shalt  }
0x56: {  	_ =	shalt  }
0x57: {  	_ =	shalt  }
0x58: {  	_ =	shalt  }
0x59: {  	_ =	shalt  }
0x5a: {  	_ =	shalt  }
0x5b: {  	_ =	shalt  }
0x5c: {  	_ =	shalt  }
0x5d: {  	_ =	shalt  }
0x5e: {  	_ =	shalt  }
0x5f: {  	_ =	shalt  }
0x60: {  	_ =	shalt  }
0x61: {  	_ =	shalt  }
0x62: {  	_ =	shalt  }
0x63: {  	_ =	shalt  }
0x64: {  	_ =	shalt  }
0x65: {  	_ =	shalt  }
0x66: {  	_ =	shalt  }
0x67: {  	_ =	shalt  }
0x68: {  	_ =	shalt  }
0x69: {  	_ =	shalt  }
0x6a: {  	_ =	shalt  }
0x6b: {  	_ =	shalt  }
0x6c: {  	_ =	shalt  }
0x6d: {  	_ =	shalt  }
0x6e: {  	_ =	shalt  }
0x6f: {  	_ =	shalt  }
0x70: {  	_ =	shalt  }
0x71: {  	_ =	shalt  }
0x72: {  	_ =	shalt  }
0x73: {  	_ =	shalt  }
0x74: {  	_ =	shalt  }
0x75: {  	_ =	shalt  }
0x76: {  	_ =	shalt  }
0x77: {  	_ =	shalt  }
0x78: {  	_ =	shalt  }
0x79: {  	_ =	shalt  }
0x7a: {  	_ =	shalt  }
0x7b: {  	_ =	shalt  }
0x7c: {  	_ =	shalt  }
0x7d: {  	_ =	shalt  }
0x7e: {  	_ =	shalt  }
0x7f: {  	_ =	shalt  }
0x80: {  	_ =	shalt  }
0x81: {  	_ =	shalt  }
0x82: {  	_ =	shalt  }
0x83: {  	_ =	shalt  }
0x84: {  	_ =	shalt  }
0x85: {  	_ =	shalt  }
0x86: {  	_ =	shalt  }
0x87: {  	_ =	shalt  }
.Lfunc_end0:
.L_simem_size_0:
called_computation_lowered:
.L_overlay_start_0:
0x88: {  	s2 =	sld [smem:$0x3FD9]  }
0x89: {  	s3 =	sld [smem:$0x3FFE];
	_ =	sdelay $0x1  }
0x8a: {  	s1 =	srdreg.scid  }
0x8b: {  	s0 =	sand.u32 $0x1, s1  }
0x8c: {  	s17 =	sshll.u32 s0, $0xA;
	s2 =	sadd.s32 s3, s2  }
0x8d: {  	s2 =	sadd.s32 s2, s17  }
0x8e: {  	[smem:$0x3FC0] =	sst s2  }
0x8f: {  	_ = 	snop  }
0x90: {  	s2 =	sld [smem:$0x3FD0];
	(tm) =	ssettm $0x1  }
0x91: {  	s18 =	sld [smem:$0x3FFB];
	_ =	sdelay $0x3  }
0x92: {  	_ =	strace s18  }
0x93: {  	s3 =	sld [smem:$0x3FFC];
	_ =	sdelay $0x3  }
0x94: {  	_ =	strace s3  }
0x95: {  	s3 =	sld [smem:$0x3FFD];
	_ =	sdelay $0x3  }
0x96: {  	_ =	strace s3  }
0x97: {  	_ =	strace $0x8FFFFFFF  }
0x98: {  	s19 =	sld [smem:$0x3FDB];
	_ =	sdelay $0x1  }
0x99: {  	s4 =	simm.s32 $_scs_section_size  }
0x9a: {  	s5 =	simm.s32 $_size__tile_overlayer_lowered;
	s6 =	simm.s32 $_tile_overlayer_lowered  }
0x9b: {  	s22 =	simm.s32 $0x1BFF;
	s21 =	sshll.u32 s6, $0x1;
	s3 =	sadd.s32 s4, s19  }
0x9c: {  	s7 =	simm.s32 $0x0;
	s20 =	sshll.u32 s5, $0x1;
	s5 =	sadd.s32 s21, s3  }
0x9d: {  	[timem:s7], [sflag:s22] =	dma.local [hbm:s5], s20  }
0x9e: {  	_ =	swait.ge [sflag:s22], s20  }
0x9f: {  	s4 =	ssub.s32 $0x0, s20;
	[sflag:s22] =	ssyncset.done $0x0  }
0xa0: {  	[sflag:s22] =	ssyncadd.s32 s4;
	_ =	sdelay $0x1  }
0xa1: {  	s23 =	simm.s32 $0x1B8B  }
0xa2: {  	_ =	swait.ge [sflag:s23], $0x1  }
0xa3: {  	[sflag:s23] =	ssyncset.done $0x0  }
0xa4: {  	s25 =	simm.s32 $0x1B8E;
	s24 =	sld [smem:$0x3FFE];
	[sflag:s23] =	ssyncadd.s32 $0xFFFFFFFF  }
0xa5: {  	s26 =	simm.s32 $execute0_lowered;
	[smem:$0x3FD2] =	sst s25  }
0xa6: {  	s5 =	sshll.u32 s26, $0x1;
	_ =	strace $0x80000046;
	[dreg:$0x1] =	wrdreg $0xFFFFFFFF  }
0xa7: {  	s28 =	simm.s32 $_size_execute0_lowered;
	s3 =	sadd.s32 s3, s5;
	[dreg:$0x0] =	wrdreg $0x0  }
0xa8: {  	s5 =	sshll.u32 s28, $0x1;
	[dreg:$0x2] =	wrdreg s3  }
0xa9: {  	[dreg:$0x3] =	wrdreg s5  }
0xaa: {  	[dreg:$0x4] =	wrdreg $0xC0  }
0xab: {  	_ =	task [dreg:s7], $0x5FFFF  }
0xac: {  	[dreg:$0x1] =	wrdreg $0xFFFFFFFF  }
0xad: {  	[dreg:$0x0] =	wrdreg $0x60  }
0xae: {  	[dreg:$0x2] =	wrdreg s2  }
0xaf: {  	[dreg:$0x3] =	wrdreg s24  }
0xb0: {  	[dreg:$0x4] =	wrdreg $0x30000  }
0xb1: {  	[dreg:$0x5] =	wrdreg $0x9  }
0xb2: {  	_ =	task.clear_ibuf [dreg:s7], $0x6FFFF;
	_ =	strace $0x90000046  }
0xb3: {  	s29 =	simm.s32 $0x9;
	_ =	strace $0x80000048  }
0xb4: {  	_ =	swait.ge [sflag:s29], $0x1  }
0xb5: {  	[sflag:s29] =	ssyncadd.s32 $0xFFFFFFFF  }
0xb6: {  	_ =	strace $0x90000048  }
0xb7: {  	_ =	sfence  }
0xb8: {  	s30 =	sld [smem:$0x0];
	_ =	sdelay $0x2  }
0xb9: {  	s31 =	sshll.u32 s1, $0xD;
	s1 =	sshrl.u32 s1, $0x2  }
0xba: {  	s3 =	sand.u32 $0x4000, s31;
	s1 =	sadd.s32 s1, s30  }
0xbb: {  	s0 =	sor.u32 s3, s0;
	s1 =	sshll.u32 s1, $0x11  }
0xbc: {  	s0 =	sor.u32 s1, s0  }
0xbd: {  	s0 =	sadd.s32 $0x8F2B, s0  }
0xbe: {  	[sflag:s0] =	ssyncadd.remote.s32 $0x1  }
0xbf: {  	_ =	sfence.sel $0xFFFF  }
0xc0: {  	[dreg:$0x0] =	wrdreg $0xFFFFFFFF;
	(pc) =	sbr.abs _section_cstart, $3  }
0xc1: {  	[dreg:$0x1] =	wrdreg $0xFFFFFFFF  }
0xc2: {  	_ =	task.clear_ibuf [dreg:s7], $0x2FFFF;
	_ =	strace $0x9FFFFFFF  }
0xc3: {  	(tm) =	ssettm $0x7FFFFFFF  }
tec
execute0_lowered:
.L_overlay_start_1:
0x0: {  	(tag) =	ssettag $0x1  }
0x1: {  	s7 =	rddreg [dreg:$0x0]  }
0x2: {  	s5 =	rddreg [dreg:$0x1]  }
0x3: {  	s2 =	rddreg [dreg:$0x2];
	s0 =	stileid.u32  }
0x4: {  	s4 =	srdreg.scid;
	s1 =	rddreg [dreg:$0x3]  }
0x5: {  	s3 =	simm.s32 $0x0;
	s13 =	simm.s32 $0x80;
	s14 =	simm.s32 $0x0  }
0x6: {  	s6 =	smul.u32 $0x2780, s0;
	s8 =	sand.u32 $0x1, s4;
	[smem:$0x7FF] =	sst s3  }
0x7: {  	s4 =	sadd.s32 $0x11C00, s5;
	s31 =	sshll.u32 s0, $0x6;
	s10 =	smul.u32 $0x27800, s8  }
0x8: {  	_ =	strace $0x80000047;
	s11 =	ssub.s32 $0x2, s8;
	s8 =	sshll.u32 s8, $0x4  }
0x9: {  	s9 =	sshrl.u32 s6, $0x3;
	s12 =	sshrl.u32 s11, $0x1;
	s8 =	sor.u32 s0, s8  }
0xa: {  	s30 =	sadd.s32 s6, s2;
	s9 =	sadd.s32 s9, s5;
	s10 =	sadd.s32 s6, s10  }
0xb: {  	s11 =	ssub.s32 s11, s12;
	s8 =	smul.u32 $0x500, s8;
	s10 =	sshrl.u32 s10, $0x3  }
0xc: {  	s6 =	sor.u32 $0x1C01, s31;
	s12 =	simm.s32 $0x2800;
	s10 =	sadd.s32 s10, s5  }
0xd: {  	s5 =	sadd.s32 $0xCC00, s9;
	s7 =	sadd.s32 s7, s8;
	s9 =	smax.u32 s11, $0x1  }
0xe: {  	s11 =	simm.s32 $0x1;
	s8 =	sadd.s32 $0x11E00, s10;
	s10 =	sshrl.u32 s30, $0x3  }
.LBB2_1:
0xf: {  	[spmem:s10], [sflag:s6] =	dma.local [hbm:s5], $0x4F0  }
0x10: {  	_ =	swait.ge [sflag:s11], $0x4F0  }
0x11: {  	[sflag:s11] =	ssyncset.done $0x0  }
0x12: {  	[sflag:s11] =	ssyncadd.s32 $0xFFFFFB10  }
0x13: {  	[tilespmem:s12], [sflag:$0x1] =	stream.linear.gather [hbm4b:s4+s3], $0x800, $0x38;
	[tilespmem:$0x5780] =	vst v63  }
0x14: {  	_ =	swait.ge [sflag:s11], $0x800  }
0x15: {  	[sflag:s11] =	ssyncset.done $0x0  }
0x16: {  	[sflag:s11] =	ssyncadd.s32 $0xFFFFF800  }
0x17: {  	[tilespmem:s3], [sflag:$0x1] =	stream.linear.gather [hbm4b:s7+s3], $0x2800, $0x38;
	[tilespmem:$0x5780] =	vst v63  }
0x18: {  	_ =	swait.ge [sflag:s11], $0x2800  }
0x19: {  	[sflag:s11] =	ssyncset.done $0x0  }
0x1a: {  	[sflag:s11] =	ssyncadd.s32 $0xFFFFD800  }
0x1b: {  	s15 =	simm.s32 $0x0;
	[bflag:$0x0] =	sbarrier.arrive $0xFFFF  }
0x1c: {  	[spmem:s2] =	stream.indirect.scatter.add.f32 [tilespmem:s12], [sflag:$0x1], $0x10, s15, s13, $0xb8;
	[tilespmem:$0x5780] =	vst v63  }
0x1d: {  	_ =	swait.ge [sflag:s11], $0x800  }
0x1e: {  	s15 =	simm.s32 $0x200;
	[sflag:s11] =	ssyncset.done $0x0  }
.LBB2_2:
0x1f: {  	s16 =	sshra.s32 s15, $0x2;
	[sflag:s11] =	ssyncadd.s32 $0xFFFFF800;
	p0 =	sne.s32 s15, $0x9E00  }
0x20: {  	[spmem:s2] =	stream.indirect.scatter.add.f32 [tilespmem:s12], [sflag:$0x1], $0x10, s16, s13, $0xb8;
	[tilespmem:$0x5780] =	vst v63  }
.Ltmp0:
0x21: {  	_ = 	snop;
	(pc) =	sbr.rel @p0 .LBB2_2-.Ltmp0, $4  }
0x22: {  	_ = 	snop  }
0x23: {  	s15 =	sadd.s32 $0x200, s15  }
0x24: {  	_ =	swait.ge [sflag:s11], $0x800  }
0x25: {  	[sflag:s11] =	ssyncset.done $0x0  }
0x26: {  	s14 =	sadd.s32 $0x1, s14  }
0x27: {  	[sflag:s11] =	ssyncadd.s32 $0xFFFFF800;
	p0 =	sne.s32 s14, s9  }
.Ltmp1:
0x28: {  	[bflag:$0x0] =	sbarrier.arrive $0xFFFF;
	(pc) =	sbr.rel @p0 .LBB2_1-.Ltmp1, $4  }
0x29: {  	[hbm:s8], [sflag:s6] =	dma.local [spmem:s10], $0x4F0  }
0x2a: {  	_ =	swait.ge [sflag:s11], $0x4F0  }
0x2b: {  	[sflag:s11] =	ssyncset.done $0x0  }
0x2c: {  	[sflag:s11] =	ssyncadd.s32 $0xFFFFFB10  }
0x2d: {  	_ =	sfence.sel $0x180000  }
0x2e: {  	[bflag:$0x0] =	sbarrier.arrive $0xFFFF  }
0x2f: {  	p0 =	sne.s32 s0, $0x0;
	_ =	strace $0x90000047  }
0x30: {  	s0 =	sadd.s32 @!p0 $0x100000, s1;
	[bflag:$0x2] =	sbarrier.arrive $0xFFFF  }
0x31: {  	[sflag:s0] =	ssyncadd.tile.s32 @!p0 $0x1;
	_ =	shalt  }
.Lfunc_end2:
_tile_overlayer_lowered:
.L_overlay_start_2:
0x32: {  	(tag) =	ssettag $0x2  }
0x33: {  	s0 =	rddreg [dreg:$0x0];
	s2 =	stileid.u32  }
0x34: {  	s1 =	rddreg [dreg:$0x1];
	p0 =	sne.s32 s2, $0x0  }
0x35: {  	s3 =	rddreg [dreg:$0x2];
	[bflag:$0x3] =	sbarrier.arrive $0xFFFF;
	s2 =	simm.s32 @!p0 $0x1C01  }
0x36: {  	[timem:s3], [sflag:s2] =	dma.local @!p0 [hbm:s0], s1  }
0x37: {  	s0 =	simm.s32 @!p0 $0x1  }
0x38: {  	_ =	swait.ge @!p0 [sflag:s0], s1  }
0x39: {  	s1 =	ssub.s32 @!p0 $0x0, s1;
	[sflag:s0] =	ssyncset.done @!p0 $0x0  }
0x3a: {  	[sflag:s0] =	ssyncadd.s32 @!p0 s1  }
0x3b: {  	[bflag:$0x3] =	sbarrier.arrive $0xFFFF  }
0x3c: {  	_ =	shalt  }

// kernel: kernel.14.cloned.1.call-start
scs
__scs_entry_jumppad:
0x0: {  	(pc) =	sbr.rel $0x88, $3  }
0x1: {  	(tag) =	ssettag $0x0;
	lr =	simm.s32 $0x1  }
0x2: {  	[smem:$0x3F99] =	sst lr;
	_ =	strace $0xD0000000  }
0x3: {  	_ = 	snop  }
0x4: {  	_ = 	snop  }
0x5: {  	_ = 	snop  }
0x6: {  	_ = 	snop  }
0x7: {  	_ = 	snop  }
__scs_overlays_trampoline_lowered:
0x8: {  	[smem:$0x3FA8] =	sst s0  }
0x9: {  	[smem:$0x3FA9] =	sst s1  }
0xa: {  	[smem:$0x3FAA] =	sst s2  }
0xb: {  	[smem:$0x3FAB] =	sst s3  }
0xc: {  	[smem:$0x3FAC] =	sst s4  }
0xd: {  	[smem:$0x3FAD] =	sst s5  }
0xe: {  	[smem:$0x3FAE] =	sst s6  }
0xf: {  	[smem:$0x3FAF] =	sst s7  }
0x10: {  	[smem:$0x3FB0] =	sst s8  }
0x11: {  	[smem:$0x3FB1] =	sst s9;
	s0 =	simm.s32 @!p0 $0x0  }
0x12: {  	s1 =	sld [smem:$0x3F97];
	s0 =	simm.s32 @p0 $0x1  }
0x13: {  	[smem:$0x3FB2] =	sst s0;
	s0 =	simm.s32 @!p1 $0x0  }
0x14: {  	s2 =	sld [smem:$0x3F96];
	s0 =	simm.s32 @p1 $0x1  }
0x15: {  	[smem:$0x3FB3] =	sst s0;
	s0 =	simm.s32 @!p2 $0x0  }
0x16: {  	s3 =	sld [smem:$0x3FDB];
	s0 =	simm.s32 @p2 $0x1  }
0x17: {  	s4 =	simm.s32 $0x1BF5;
	[smem:$0x3FB5] =	sst s0  }
0x18: {  	s0 =	sld [smem:$0x3F98];
	_ =	swait.ge [sflag:s4], $0x0  }
0x19: {  	s7 =	sld [smem:$0x3F99]  }
0x1a: {  	s8 =	sadd.s32 $0xFFFFE003, lr  }
0x1b: {  	s9 =	sadd.s32 $0xFFFFFEF7, lr;
	s5 =	simm.s32 $0xFFFFFFFF;
	p2 =	slt.u32 s8, $0xFFFFF086  }
0x1c: {  	p1 =	slt.u32 s9, $0xF7A;
	s5 =	simm.s32 @!p2 $0x0  }
0x1d: {  	s5 =	simm.s32 @p1 $0x1;
	p0 =	seq.s32 s7, s2  }
0x1e: {  	s7 =	smul.u32 @!p0 $0xF7A, s2;
	p2 =	seq.s32 @!p0 s5, $0x0  }
0x1f: {  	s9 =	smul.u32 $0xF7A, s1;
	s8 =	simm.s32 @!p0 $0x1BF5;
	p2 =	por !p2, p0  }
0x20: {  	[sflag:s8] =	ssyncset.s32 @!p0 $0xFFFFF086;
	s6 =	sadd.s32 @!p0 s3, s7;
	s7 =	simm.s32 @!p0 $0x108  }
0x21: {  	s3 =	sadd.s32 s3, s9;
	s6 =	sadd.s32 @!p0 $0x88, s6;
	s7 =	simm.s32 @p2 $0x1082  }
0x22: {  	[simem:s7], [sflag:s8] =	dma.local @!p0 [hbm:s6], $0xF7A  }
0x23: {  	s9 =	sor.u32 $0xD0000000, s2;
	s6 =	simm.s32 $0x108;
	_ =	swait.ge @!p0 [sflag:s8], $0x0  }
0x24: {  	s3 =	sadd.s32 $0x88, s3;
	s6 =	simm.s32 @!p1 $0x1082;
	[sflag:s4] =	ssyncset.s32 $0xFFFFF086  }
0x25: {  	[simem:s6], [sflag:s4] =	dma.local [hbm:s3], $0xF7A  }
0x26: {  	[smem:$0x3F99] =	sst s1;
	(tag) =	ssettag s2;
	_ =	strace s9  }
0x27: {  	s1 =	sld [smem:$0x3FA9]  }
0x28: {  	s2 =	sld [smem:$0x3FAA]  }
0x29: {  	s4 =	sld [smem:$0x3FAC]  }
0x2a: {  	p0 =	seq.s32 s5, $0x0;
	s5 =	sld [smem:$0x3FAD]  }
0x2b: {  	s6 =	sld [smem:$0x3FAE]  }
0x2c: {  	s7 =	sld [smem:$0x3FAF]  }
0x2d: {  	s3 =	simm.s32 $0x108;
	s8 =	sld [smem:$0x3FB0]  }
0x2e: {  	s3 =	simm.s32 @!p0 $0x1082;
	s9 =	sld [smem:$0x3FB1]  }
0x2f: {  	lr =	sadd.s32 s0, s3;
	s0 =	sld [smem:$0x3FA8]  }
0x30: {  	s3 =	sld [smem:$0x3FAB]  }
0x31: {  	[smem:$0x3FB4] =	sst s10  }
0x32: {  	s10 =	sld [smem:$0x3FB2];
	_ =	sdelay $0x3  }
0x33: {  	p0 =	seq.s32 s10, $0x1;
	s10 =	sld [smem:$0x3FB4];
	_ =	sdelay $0x3  }
0x34: {  	[smem:$0x3FB4] =	sst s10  }
0x35: {  	s10 =	sld [smem:$0x3FB3];
	_ =	sdelay $0x3  }
0x36: {  	p1 =	seq.s32 s10, $0x1;
	s10 =	sld [smem:$0x3FB4];
	_ =	sdelay $0x3  }
0x37: {  	[smem:$0x3FB4] =	sst s10  }
0x38: {  	s10 =	sld [smem:$0x3FB5]  }
0x39: {  	_ = 	snop;
	(pc) =	sbr.ind lr, $3  }
0x3a: {  	_ = 	snop  }
0x3b: {  	_ = 	snop  }
0x3c: {  	p2 =	seq.s32 s10, $0x1;
	s10 =	sld [smem:$0x3FB4]  }
0x3d: {  	_ =	shalt  }
0x3e: {  	_ =	shalt  }
0x3f: {  	_ =	shalt  }
0x40: {  	_ =	shalt  }
0x41: {  	_ =	shalt  }
0x42: {  	_ =	shalt  }
0x43: {  	_ =	shalt  }
0x44: {  	_ =	shalt  }
0x45: {  	_ =	shalt  }
0x46: {  	_ =	shalt  }
0x47: {  	_ =	shalt  }
0x48: {  	_ =	shalt  }
0x49: {  	_ =	shalt  }
0x4a: {  	_ =	shalt  }
0x4b: {  	_ =	shalt  }
0x4c: {  	_ =	shalt  }
0x4d: {  	_ =	shalt  }
0x4e: {  	_ =	shalt  }
0x4f: {  	_ =	shalt  }
0x50: {  	_ =	shalt  }
0x51: {  	_ =	shalt  }
0x52: {  	_ =	shalt  }
0x53: {  	_ =	shalt  }
0x54: {  	_ =	shalt  }
0x55: {  	_ =	shalt  }
0x56: {  	_ =	shalt  }
0x57: {  	_ =	shalt  }
0x58: {  	_ =	shalt  }
0x59: {  	_ =	shalt  }
0x5a: {  	_ =	shalt  }
0x5b: {  	_ =	shalt  }
0x5c: {  	_ =	shalt  }
0x5d: {  	_ =	shalt  }
0x5e: {  	_ =	shalt  }
0x5f: {  	_ =	shalt  }
0x60: {  	_ =	shalt  }
0x61: {  	_ =	shalt  }
0x62: {  	_ =	shalt  }
0x63: {  	_ =	shalt  }
0x64: {  	_ =	shalt  }
0x65: {  	_ =	shalt  }
0x66: {  	_ =	shalt  }
0x67: {  	_ =	shalt  }
0x68: {  	_ =	shalt  }
0x69: {  	_ =	shalt  }
0x6a: {  	_ =	shalt  }
0x6b: {  	_ =	shalt  }
0x6c: {  	_ =	shalt  }
0x6d: {  	_ =	shalt  }
0x6e: {  	_ =	shalt  }
0x6f: {  	_ =	shalt  }
0x70: {  	_ =	shalt  }
0x71: {  	_ =	shalt  }
0x72: {  	_ =	shalt  }
0x73: {  	_ =	shalt  }
0x74: {  	_ =	shalt  }
0x75: {  	_ =	shalt  }
0x76: {  	_ =	shalt  }
0x77: {  	_ =	shalt  }
0x78: {  	_ =	shalt  }
0x79: {  	_ =	shalt  }
0x7a: {  	_ =	shalt  }
0x7b: {  	_ =	shalt  }
0x7c: {  	_ =	shalt  }
0x7d: {  	_ =	shalt  }
0x7e: {  	_ =	shalt  }
0x7f: {  	_ =	shalt  }
0x80: {  	_ =	shalt  }
0x81: {  	_ =	shalt  }
0x82: {  	_ =	shalt  }
0x83: {  	_ =	shalt  }
0x84: {  	_ =	shalt  }
0x85: {  	_ =	shalt  }
0x86: {  	_ =	shalt  }
0x87: {  	_ =	shalt  }
.Lfunc_end0:
.L_simem_size_0:
called_computation.1_lowered:
.L_overlay_start_0:
0x88: {  	s2 =	sld [smem:$0x3FD9]  }
0x89: {  	s3 =	sld [smem:$0x3FFE];
	_ =	sdelay $0x1  }
0x8a: {  	s1 =	srdreg.scid  }
0x8b: {  	s0 =	sand.u32 $0x1, s1  }
0x8c: {  	s17 =	sshll.u32 s0, $0xA;
	s2 =	sadd.s32 s3, s2  }
0x8d: {  	s2 =	sadd.s32 s2, s17  }
0x8e: {  	[smem:$0x3FC0] =	sst s2  }
0x8f: {  	_ = 	snop  }
0x90: {  	s2 =	sld [smem:$0x3FD0];
	(tm) =	ssettm $0x1  }
0x91: {  	s18 =	sld [smem:$0x3FFB];
	_ =	sdelay $0x3  }
0x92: {  	_ =	strace s18  }
0x93: {  	s3 =	sld [smem:$0x3FFC];
	_ =	sdelay $0x3  }
0x94: {  	_ =	strace s3  }
0x95: {  	s3 =	sld [smem:$0x3FFD];
	_ =	sdelay $0x3  }
0x96: {  	_ =	strace s3  }
0x97: {  	_ =	strace $0x8FFFFFFF  }
0x98: {  	s19 =	sld [smem:$0x3FDB];
	_ =	sdelay $0x1  }
0x99: {  	s4 =	simm.s32 $_scs_section_size  }
0x9a: {  	s5 =	simm.s32 $_size__tile_overlayer_lowered;
	s6 =	simm.s32 $_tile_overlayer_lowered  }
0x9b: {  	s22 =	simm.s32 $0x1BFF;
	s21 =	sshll.u32 s6, $0x1;
	s3 =	sadd.s32 s4, s19  }
0x9c: {  	s7 =	simm.s32 $0x0;
	s20 =	sshll.u32 s5, $0x1;
	s5 =	sadd.s32 s21, s3  }
0x9d: {  	[timem:s7], [sflag:s22] =	dma.local [hbm:s5], s20  }
0x9e: {  	_ =	swait.ge [sflag:s22], s20  }
0x9f: {  	s4 =	ssub.s32 $0x0, s20;
	[sflag:s22] =	ssyncset.done $0x0  }
0xa0: {  	[sflag:s22] =	ssyncadd.s32 s4;
	_ =	sdelay $0x1  }
0xa1: {  	s23 =	simm.s32 $0x1B8B  }
0xa2: {  	_ =	swait.ge [sflag:s23], $0x1  }
0xa3: {  	[sflag:s23] =	ssyncset.done $0x0  }
0xa4: {  	s25 =	simm.s32 $0x1B8E;
	s24 =	sld [smem:$0x3FFE];
	[sflag:s23] =	ssyncadd.s32 $0xFFFFFFFF  }
0xa5: {  	s26 =	simm.s32 $execute0_lowered;
	[smem:$0x3FD2] =	sst s25  }
0xa6: {  	s5 =	sshll.u32 s26, $0x1;
	_ =	strace $0x80000049;
	[dreg:$0x1] =	wrdreg $0xFFFFFFFF  }
0xa7: {  	s28 =	simm.s32 $_size_execute0_lowered;
	s3 =	sadd.s32 s3, s5;
	[dreg:$0x0] =	wrdreg $0x0  }
0xa8: {  	s5 =	sshll.u32 s28, $0x1;
	[dreg:$0x2] =	wrdreg s3  }
0xa9: {  	[dreg:$0x3] =	wrdreg s5  }
0xaa: {  	[dreg:$0x4] =	wrdreg $0xC0  }
0xab: {  	_ =	task [dreg:s7], $0x5FFFF  }
0xac: {  	[dreg:$0x1] =	wrdreg $0xFFFFFFFF  }
0xad: {  	[dreg:$0x0] =	wrdreg $0x60  }
0xae: {  	[dreg:$0x2] =	wrdreg s24  }
0xaf: {  	[dreg:$0x3] =	wrdreg s2  }
0xb0: {  	[dreg:$0x4] =	wrdreg $0xA8000  }
0xb1: {  	[dreg:$0x5] =	wrdreg $0x9  }
0xb2: {  	_ =	task.clear_ibuf [dreg:s7], $0x6FFFF;
	_ =	strace $0x90000049  }
0xb3: {  	s29 =	simm.s32 $0x9;
	_ =	strace $0x8000004B  }
0xb4: {  	_ =	swait.ge [sflag:s29], $0x1  }
0xb5: {  	[sflag:s29] =	ssyncadd.s32 $0xFFFFFFFF  }
0xb6: {  	_ =	strace $0x9000004B  }
0xb7: {  	_ =	sfence  }
0xb8: {  	s30 =	sld [smem:$0x0];
	_ =	sdelay $0x2  }
0xb9: {  	s31 =	sshll.u32 s1, $0xD;
	s1 =	sshrl.u32 s1, $0x2  }
0xba: {  	s3 =	sand.u32 $0x4000, s31;
	s1 =	sadd.s32 s1, s30  }
0xbb: {  	s0 =	sor.u32 s3, s0;
	s1 =	sshll.u32 s1, $0x11  }
0xbc: {  	s0 =	sor.u32 s1, s0  }
0xbd: {  	s0 =	sadd.s32 $0x8F2B, s0  }
0xbe: {  	[sflag:s0] =	ssyncadd.remote.s32 $0x1  }
0xbf: {  	_ =	sfence.sel $0xFFFF  }
0xc0: {  	[dreg:$0x0] =	wrdreg $0xFFFFFFFF;
	(pc) =	sbr.abs _section_cstart, $3  }
0xc1: {  	[dreg:$0x1] =	wrdreg $0xFFFFFFFF  }
0xc2: {  	_ =	task.clear_ibuf [dreg:s7], $0x2FFFF;
	_ =	strace $0x9FFFFFFF  }
0xc3: {  	(tm) =	ssettm $0x7FFFFFFF  }
tec
execute0_lowered:
.L_overlay_start_1:
0x0: {  	(tag) =	ssettag $0x1  }
0x1: {  	s5 =	rddreg [dreg:$0x0]  }
0x2: {  	s12 =	rddreg [dreg:$0x1]  }
0x3: {  	s2 =	rddreg [dreg:$0x2]  }
0x4: {  	s0 =	rddreg [dreg:$0x3];
	s1 =	stileid.u32  }
0x5: {  	s4 =	srdreg.scid;
	s3 =	simm.s32 $0x0;
	s15 =	simm.s32 $0x1400  }
0x6: {  	s16 =	simm.s32 $0x80;
	s17 =	simm.s32 $0x2800;
	s18 =	simm.s32 $0x6800  }
0x7: {  	s19 =	simm.s32 $0x1;
	s20 =	simm.s32 $0x2;
	s21 =	simm.s32 $0x1380  }
0x8: {  	s22 =	simm.s32 $0x2700;
	s6 =	smul.u32 $0x13C00, s1;
	s7 =	sand.u32 $0x1, s4  }
0x9: {  	[smem:$0x7FF] =	sst s3;
	s4 =	sadd.s32 $0xCC00, s5;
	s10 =	smul.u32 $0x4F000, s1  }
0xa: {  	s11 =	sadd.s32 $0x2C00, s5;
	s29 =	sshll.u32 s1, $0x6;
	s8 =	smul.u32 $0x13C000, s7  }
0xb: {  	_ =	strace $0x8000004A;
	s23 =	ssub.s32 $0x2, s7;
	s25 =	sshll.u32 s7, $0x4  }
0xc: {  	s9 =	sshrl.u32 s6, $0x3;
	s24 =	sshrl.u32 s23, $0x1;
	s26 =	sor.u32 s1, s25  }
0xd: {  	s28 =	sshrl.u32 s10, $0x2;
	s9 =	sadd.s32 s9, s5;
	s6 =	sadd.s32 s6, s8  }
0xe: {  	s8 =	ssub.s32 s23, s24;
	s14 =	sadd.s32 s28, s2;
	s30 =	smul.u32 $0x500, s26  }
0xf: {  	s23 =	simm.s32 $0x2780;
	s24 =	simm.s32 $0x0;
	s6 =	sshrl.u32 s6, $0x3  }
0x10: {  	s8 =	smax.u32 s8, $0x1;
	s13 =	sadd.s32 s6, s5;
	s5 =	sadd.s32 $0x33E00, s9  }
0x11: {  	s6 =	sor.u32 $0x1C03, s29;
	s9 =	sadd.s32 s11, s30;
	s31 =	sadd.s32 $0x280, s30  }
0x12: {  	s10 =	sadd.s32 s12, s30;
	s7 =	sadd.s32 $0x5B600, s13;
	s11 =	sadd.s32 s11, s31  }
0x13: {  	s12 =	sadd.s32 s12, s31;
	s13 =	sshrl.u32 s14, $0x3;
	s14 =	simm.s32 $0x3  }
.LBB2_1:
0x14: {  	[spmem:s13], [sflag:s6] =	dma.local [hbm:s5], $0x2780  }
0x15: {  	_ =	swait.ge [sflag:s14], $0x2780  }
0x16: {  	[sflag:s14] =	ssyncset.done $0x0  }
0x17: {  	[sflag:s14] =	ssyncadd.s32 $0xFFFFD880  }
0x18: {  	[bflag:$0x0] =	sbarrier.arrive $0xFFFF  }
0x19: {  	[tilespmem:s3], [sflag:$0x3] =	stream.linear.gather [hbm4b:s9+s3], $0x1400, $0x38;
	[tilespmem:$0x1E400] =	vst v63  }
0x1a: {  	_ =	swait.ge [sflag:s14], $0x1400  }
0x1b: {  	[sflag:s14] =	ssyncset.done $0x0  }
0x1c: {  	[sflag:s14] =	ssyncadd.s32 $0xFFFFEC00  }
0x1d: {  	[tilespmem:s15], [sflag:$0x3] =	stream.linear.gather [hbm4b:s10+s3], $0x1400, $0x38;
	[tilespmem:$0x1E400] =	vst v63  }
0x1e: {  	_ =	swait.ge [sflag:s14], $0x1400  }
0x1f: {  	[sflag:s14] =	ssyncset.done $0x0  }
0x20: {  	[sflag:s14] =	ssyncadd.s32 $0xFFFFEC00  }
0x21: {  	[tilespmem:s17], [sflag:$0x1] =	stream.indirect.gather [hbm4b:s4+s16], $0x80, s3, s16, $0xb8;
	[tilespmem:$0x1E400] =	vst v63  }
0x22: {  	s25 =	simm.s32 $0x80  }
0x23: {  	[tilespmem:s18], [sflag:$0x2] =	stream.indirect.gather [hbm4b:s4+s16], $0x80, s25, s16, $0xb8;
	[tilespmem:$0x1E400] =	vst v63  }
0x24: {  	_ =	swait.ge [sflag:s19], $0x4000  }
0x25: {  	[sflag:s19] =	ssyncset.done $0x0  }
0x26: {  	s29 =	simm.s32 $0x1400;
	[sflag:s19] =	ssyncadd.s32 $0xFFFFC000  }
0x27: {  	[spmem:s2] =	stream.indirect.scatter.add.f32 [tilespmem:s17], [sflag:$0x3], $0x80, s29, s16, $0xb8;
	[tilespmem:$0x1E400] =	vst v63  }
0x28: {  	_ =	swait.ge [sflag:s14], $0x4000  }
0x29: {  	[sflag:s14] =	ssyncset.done $0x0  }
0x2a: {  	s30 =	simm.s32 $0x100;
	[sflag:s14] =	ssyncadd.s32 $0xFFFFC000  }
0x2b: {  	[tilespmem:s17], [sflag:$0x1] =	stream.indirect.gather [hbm4b:s4+s16], $0x80, s30, s16, $0xb8;
	[tilespmem:$0x1E400] =	vst v63  }
0x2c: {  	_ =	swait.ge [sflag:s20], $0x4000  }
0x2d: {  	[sflag:s20] =	ssyncset.done $0x0  }
0x2e: {  	s31 =	simm.s32 $0x1480;
	[sflag:s20] =	ssyncadd.s32 $0xFFFFC000  }
0x2f: {  	[spmem:s2] =	stream.indirect.scatter.add.f32 [tilespmem:s18], [sflag:$0x3], $0x80, s31, s16, $0xb8;
	[tilespmem:$0x1E400] =	vst v63  }
0x30: {  	_ =	swait.ge [sflag:s14], $0x4000  }
0x31: {  	s26 =	simm.s32 $0x800;
	s25 =	simm.s32 $0x100;
	[sflag:s14] =	ssyncset.done $0x0  }
.LBB2_2:
0x32: {  	s28 =	sadd.s32 $0x80, s25  }
0x33: {  	[sflag:s14] =	ssyncadd.s32 $0xFFFFC000;
	s29 =	smov.u32 s26;
	s30 =	sadd.s32 $0x400, s26  }
0x34: {  	[tilespmem:s18], [sflag:$0x2] =	stream.indirect.gather [hbm4b:s4+s16], $0x80, s28, s16, $0xb8;
	[tilespmem:$0x1E400] =	vst v63  }
0x35: {  	p0 =	sne.s32 s26, $0x4800;
	_ =	swait.ge [sflag:s19], $0x4000  }
0x36: {  	[sflag:s19] =	ssyncset.done $0x0  }
0x37: {  	s26 =	sadd.s32 $0x1400, s25;
	[sflag:s19] =	ssyncadd.s32 $0xFFFFC000  }
0x38: {  	[spmem:s2] =	stream.indirect.scatter.add.f32 [tilespmem:s17], [sflag:$0x3], $0x80, s26, s16, $0xb8;
	[tilespmem:$0x1E400] =	vst v63  }
0x39: {  	_ =	swait.ge [sflag:s14], $0x4000  }
0x3a: {  	[sflag:s14] =	ssyncset.done $0x0  }
0x3b: {  	s26 =	sadd.s32 $0x100, s25;
	[sflag:s14] =	ssyncadd.s32 $0xFFFFC000  }
0x3c: {  	[tilespmem:s17], [sflag:$0x1] =	stream.indirect.gather [hbm4b:s4+s16], $0x80, s26, s16, $0xb8;
	[tilespmem:$0x1E400] =	vst v63  }
0x3d: {  	_ =	swait.ge [sflag:s20], $0x4000  }
.Ltmp0:
0x3e: {  	[sflag:s20] =	ssyncset.done $0x0;
	(pc) =	sbr.rel @p0 .LBB2_2-.Ltmp0, $4  }
0x3f: {  	s25 =	sadd.s32 $0x1480, s25;
	[sflag:s20] =	ssyncadd.s32 $0xFFFFC000  }
0x40: {  	[spmem:s2] =	stream.indirect.scatter.add.f32 [tilespmem:s18], [sflag:$0x3], $0x80, s25, s16, $0xb8;
	[tilespmem:$0x1E400] =	vst v63  }
0x41: {  	_ =	swait.ge [sflag:s14], $0x4000  }
0x42: {  	s26 =	smov.u32 s30;
	s25 =	sshra.s32 s29, $0x2;
	[sflag:s14] =	ssyncset.done $0x0  }
0x43: {  	s26 =	sadd.s32 $0x80, s25;
	[sflag:s14] =	ssyncadd.s32 $0xFFFFC000  }
0x44: {  	[tilespmem:s18], [sflag:$0x2] =	stream.indirect.gather [hbm4b:s4+s16], $0x80, s26, s16, $0xb8;
	[tilespmem:$0x1E400] =	vst v63  }
0x45: {  	_ =	swait.ge [sflag:s19], $0x4000  }
0x46: {  	[sflag:s19] =	ssyncset.done $0x0  }
0x47: {  	s29 =	sadd.s32 $0x1400, s25;
	[sflag:s19] =	ssyncadd.s32 $0xFFFFC000  }
0x48: {  	[spmem:s2] =	stream.indirect.scatter.add.f32 [tilespmem:s17], [sflag:$0x3], $0x80, s29, s16, $0xb8;
	[tilespmem:$0x1E400] =	vst v63  }
0x49: {  	_ =	swait.ge [sflag:s14], $0x4000  }
0x4a: {  	[sflag:s14] =	ssyncset.done $0x0  }
0x4b: {  	s30 =	sadd.s32 $0x100, s25;
	[sflag:s14] =	ssyncadd.s32 $0xFFFFC000  }
0x4c: {  	[tilespmem:s17], [sflag:$0x1] =	stream.indirect.gather [hbm4b:s4+s16], $0x80, s30, s16, $0xb8;
	[tilespmem:$0x1E400] =	vst v63  }
0x4d: {  	_ =	swait.ge [sflag:s20], $0x4000  }
0x4e: {  	[sflag:s20] =	ssyncset.done $0x0  }
0x4f: {  	s31 =	sadd.s32 $0x1480, s25;
	[sflag:s20] =	ssyncadd.s32 $0xFFFFC000  }
0x50: {  	[spmem:s2] =	stream.indirect.scatter.add.f32 [tilespmem:s18], [sflag:$0x3], $0x80, s31, s16, $0xb8;
	[tilespmem:$0x1E400] =	vst v63  }
0x51: {  	_ =	swait.ge [sflag:s14], $0x4000  }
0x52: {  	[sflag:s14] =	ssyncset.done $0x0  }
0x53: {  	[sflag:s14] =	ssyncadd.s32 $0xFFFFC000  }
0x54: {  	[tilespmem:s18], [sflag:$0x2] =	stream.indirect.gather [hbm4b:s4+s16], $0x80, s21, s16, $0xb8;
	[tilespmem:$0x1E400] =	vst v63  }
0x55: {  	_ =	swait.ge [sflag:s19], $0x4000  }
0x56: {  	[sflag:s19] =	ssyncset.done $0x0  }
0x57: {  	[sflag:s19] =	ssyncadd.s32 $0xFFFFC000  }
0x58: {  	[spmem:s2] =	stream.indirect.scatter.add.f32 [tilespmem:s17], [sflag:$0x3], $0x80, s22, s16, $0xb8;
	[tilespmem:$0x1E400] =	vst v63  }
0x59: {  	_ =	swait.ge [sflag:s14], $0x4000  }
0x5a: {  	[sflag:s14] =	ssyncset.done $0x0  }
0x5b: {  	[sflag:s14] =	ssyncadd.s32 $0xFFFFC000  }
0x5c: {  	_ =	swait.ge [sflag:s20], $0x4000  }
0x5d: {  	[sflag:s20] =	ssyncset.done $0x0  }
0x5e: {  	[sflag:s20] =	ssyncadd.s32 $0xFFFFC000  }
0x5f: {  	[spmem:s2] =	stream.indirect.scatter.add.f32 [tilespmem:s18], [sflag:$0x3], $0x80, s23, s16, $0xb8;
	[tilespmem:$0x1E400] =	vst v63  }
0x60: {  	_ =	swait.ge [sflag:s14], $0x4000  }
0x61: {  	[sflag:s14] =	ssyncset.done $0x0  }
0x62: {  	s26 =	simm.s32 $0x0;
	[sflag:s14] =	ssyncadd.s32 $0xFFFFC000  }
0x63: {  	[tilespmem:s26], [sflag:$0x3] =	stream.linear.gather [hbm4b:s11+s26], $0x1400, $0x38;
	[tilespmem:$0x1E400] =	vst v63  }
0x64: {  	_ =	swait.ge [sflag:s14], $0x1400  }
0x65: {  	[sflag:s14] =	ssyncset.done $0x0  }
0x66: {  	[sflag:s14] =	ssyncadd.s32 $0xFFFFEC00  }
0x67: {  	[tilespmem:s15], [sflag:$0x3] =	stream.linear.gather [hbm4b:s12+s26], $0x1400, $0x38;
	[tilespmem:$0x1E400] =	vst v63  }
0x68: {  	_ =	swait.ge [sflag:s14], $0x1400  }
0x69: {  	[sflag:s14] =	ssyncset.done $0x0  }
0x6a: {  	[sflag:s14] =	ssyncadd.s32 $0xFFFFEC00  }
0x6b: {  	[tilespmem:s17], [sflag:$0x1] =	stream.indirect.gather [hbm4b:s4+s16], $0x80, s26, s16, $0xb8;
	[tilespmem:$0x1E400] =	vst v63  }
0x6c: {  	s28 =	simm.s32 $0x80  }
0x6d: {  	[tilespmem:s18], [sflag:$0x2] =	stream.indirect.gather [hbm4b:s4+s16], $0x80, s28, s16, $0xb8;
	[tilespmem:$0x1E400] =	vst v63  }
0x6e: {  	_ =	swait.ge [sflag:s19], $0x4000  }
0x6f: {  	[sflag:s19] =	ssyncset.done $0x0  }
0x70: {  	s29 =	simm.s32 $0x1400;
	[sflag:s19] =	ssyncadd.s32 $0xFFFFC000  }
0x71: {  	[spmem:s2] =	stream.indirect.scatter.add.f32 [tilespmem:s17], [sflag:$0x3], $0x80, s29, s16, $0xb8;
	[tilespmem:$0x1E400] =	vst v63  }
0x72: {  	_ =	swait.ge [sflag:s14], $0x4000  }
0x73: {  	[sflag:s14] =	ssyncset.done $0x0  }
0x74: {  	s30 =	simm.s32 $0x100;
	[sflag:s14] =	ssyncadd.s32 $0xFFFFC000  }
0x75: {  	[tilespmem:s17], [sflag:$0x1] =	stream.indirect.gather [hbm4b:s4+s16], $0x80, s30, s16, $0xb8;
	[tilespmem:$0x1E400] =	vst v63  }
0x76: {  	_ =	swait.ge [sflag:s20], $0x4000  }
0x77: {  	[sflag:s20] =	ssyncset.done $0x0  }
0x78: {  	s31 =	simm.s32 $0x1480;
	[sflag:s20] =	ssyncadd.s32 $0xFFFFC000  }
0x79: {  	[spmem:s2] =	stream.indirect.scatter.add.f32 [tilespmem:s18], [sflag:$0x3], $0x80, s31, s16, $0xb8;
	[tilespmem:$0x1E400] =	vst v63  }
0x7a: {  	_ =	swait.ge [sflag:s14], $0x4000  }
0x7b: {  	s25 =	simm.s32 $0x100;
	s26 =	simm.s32 $0x800;
	[sflag:s14] =	ssyncset.done $0x0  }
.LBB2_4:
0x7c: {  	s28 =	sadd.s32 $0x80, s25  }
0x7d: {  	[sflag:s14] =	ssyncadd.s32 $0xFFFFC000;
	s29 =	smov.u32 s26;
	s30 =	sadd.s32 $0x400, s26  }
0x7e: {  	[tilespmem:s18], [sflag:$0x2] =	stream.indirect.gather [hbm4b:s4+s16], $0x80, s28, s16, $0xb8;
	[tilespmem:$0x1E400] =	vst v63  }
0x7f: {  	p0 =	sne.s32 s26, $0x4800;
	_ =	swait.ge [sflag:s19], $0x4000  }
0x80: {  	[sflag:s19] =	ssyncset.done $0x0  }
0x81: {  	s26 =	sadd.s32 $0x1400, s25;
	[sflag:s19] =	ssyncadd.s32 $0xFFFFC000  }
0x82: {  	[spmem:s2] =	stream.indirect.scatter.add.f32 [tilespmem:s17], [sflag:$0x3], $0x80, s26, s16, $0xb8;
	[tilespmem:$0x1E400] =	vst v63  }
0x83: {  	_ =	swait.ge [sflag:s14], $0x4000  }
0x84: {  	[sflag:s14] =	ssyncset.done $0x0  }
0x85: {  	s26 =	sadd.s32 $0x100, s25;
	[sflag:s14] =	ssyncadd.s32 $0xFFFFC000  }
0x86: {  	[tilespmem:s17], [sflag:$0x1] =	stream.indirect.gather [hbm4b:s4+s16], $0x80, s26, s16, $0xb8;
	[tilespmem:$0x1E400] =	vst v63  }
0x87: {  	_ =	swait.ge [sflag:s20], $0x4000  }
.Ltmp1:
0x88: {  	[sflag:s20] =	ssyncset.done $0x0;
	(pc) =	sbr.rel @p0 .LBB2_4-.Ltmp1, $4  }
0x89: {  	s25 =	sadd.s32 $0x1480, s25;
	[sflag:s20] =	ssyncadd.s32 $0xFFFFC000  }
0x8a: {  	[spmem:s2] =	stream.indirect.scatter.add.f32 [tilespmem:s18], [sflag:$0x3], $0x80, s25, s16, $0xb8;
	[tilespmem:$0x1E400] =	vst v63  }
0x8b: {  	_ =	swait.ge [sflag:s14], $0x4000  }
0x8c: {  	s26 =	smov.u32 s30;
	s25 =	sshra.s32 s29, $0x2;
	[sflag:s14] =	ssyncset.done $0x0  }
0x8d: {  	s26 =	sadd.s32 $0x80, s25;
	[sflag:s14] =	ssyncadd.s32 $0xFFFFC000  }
0x8e: {  	[tilespmem:s18], [sflag:$0x2] =	stream.indirect.gather [hbm4b:s4+s16], $0x80, s26, s16, $0xb8;
	[tilespmem:$0x1E400] =	vst v63  }
0x8f: {  	_ =	swait.ge [sflag:s19], $0x4000  }
0x90: {  	[sflag:s19] =	ssyncset.done $0x0  }
0x91: {  	s29 =	sadd.s32 $0x1400, s25;
	[sflag:s19] =	ssyncadd.s32 $0xFFFFC000  }
0x92: {  	[spmem:s2] =	stream.indirect.scatter.add.f32 [tilespmem:s17], [sflag:$0x3], $0x80, s29, s16, $0xb8;
	[tilespmem:$0x1E400] =	vst v63  }
0x93: {  	_ =	swait.ge [sflag:s14], $0x4000  }
0x94: {  	[sflag:s14] =	ssyncset.done $0x0  }
0x95: {  	s30 =	sadd.s32 $0x100, s25;
	[sflag:s14] =	ssyncadd.s32 $0xFFFFC000  }
0x96: {  	[tilespmem:s17], [sflag:$0x1] =	stream.indirect.gather [hbm4b:s4+s16], $0x80, s30, s16, $0xb8;
	[tilespmem:$0x1E400] =	vst v63  }
0x97: {  	_ =	swait.ge [sflag:s20], $0x4000  }
0x98: {  	[sflag:s20] =	ssyncset.done $0x0  }
0x99: {  	s31 =	sadd.s32 $0x1480, s25;
	[sflag:s20] =	ssyncadd.s32 $0xFFFFC000  }
0x9a: {  	[spmem:s2] =	stream.indirect.scatter.add.f32 [tilespmem:s18], [sflag:$0x3], $0x80, s31, s16, $0xb8;
	[tilespmem:$0x1E400] =	vst v63  }
0x9b: {  	_ =	swait.ge [sflag:s14], $0x4000  }
0x9c: {  	[sflag:s14] =	ssyncset.done $0x0  }
0x9d: {  	[sflag:s14] =	ssyncadd.s32 $0xFFFFC000  }
0x9e: {  	[tilespmem:s18], [sflag:$0x2] =	stream.indirect.gather [hbm4b:s4+s16], $0x80, s21, s16, $0xb8;
	[tilespmem:$0x1E400] =	vst v63  }
0x9f: {  	_ =	swait.ge [sflag:s19], $0x4000  }
0xa0: {  	[sflag:s19] =	ssyncset.done $0x0  }
0xa1: {  	[sflag:s19] =	ssyncadd.s32 $0xFFFFC000  }
0xa2: {  	[spmem:s2] =	stream.indirect.scatter.add.f32 [tilespmem:s17], [sflag:$0x3], $0x80, s22, s16, $0xb8;
	[tilespmem:$0x1E400] =	vst v63  }
0xa3: {  	_ =	swait.ge [sflag:s14], $0x4000  }
0xa4: {  	[sflag:s14] =	ssyncset.done $0x0  }
0xa5: {  	[sflag:s14] =	ssyncadd.s32 $0xFFFFC000  }
0xa6: {  	_ =	swait.ge [sflag:s20], $0x4000  }
0xa7: {  	[sflag:s20] =	ssyncset.done $0x0  }
0xa8: {  	[sflag:s20] =	ssyncadd.s32 $0xFFFFC000  }
0xa9: {  	[spmem:s2] =	stream.indirect.scatter.add.f32 [tilespmem:s18], [sflag:$0x3], $0x80, s23, s16, $0xb8;
	[tilespmem:$0x1E400] =	vst v63  }
0xaa: {  	_ =	swait.ge [sflag:s14], $0x4000  }
0xab: {  	s24 =	sadd.s32 $0x1, s24;
	[sflag:s14] =	ssyncset.done $0x0  }
0xac: {  	p0 =	sne.s32 s24, s8;
	[sflag:s14] =	ssyncadd.s32 $0xFFFFC000  }
.Ltmp2:
0xad: {  	[bflag:$0x0] =	sbarrier.arrive $0xFFFF;
	(pc) =	sbr.rel @p0 .LBB2_1-.Ltmp2, $4  }
0xae: {  	[hbm:s7], [sflag:s6] =	dma.local [spmem:s13], $0x2780  }
0xaf: {  	_ =	swait.ge [sflag:s14], $0x2780  }
0xb0: {  	[sflag:s14] =	ssyncset.done $0x0  }
0xb1: {  	[sflag:s14] =	ssyncadd.s32 $0xFFFFD880  }
0xb2: {  	_ =	sfence.sel $0x180000  }
0xb3: {  	[bflag:$0x0] =	sbarrier.arrive $0xFFFF  }
0xb4: {  	p0 =	sne.s32 s1, $0x0;
	_ =	strace $0x9000004A  }
0xb5: {  	s0 =	sadd.s32 @!p0 $0x100000, s0;
	[bflag:$0x2] =	sbarrier.arrive $0xFFFF  }
0xb6: {  	[sflag:s0] =	ssyncadd.tile.s32 @!p0 $0x1;
	_ =	shalt  }
.Lfunc_end2:
_tile_overlayer_lowered:
.L_overlay_start_2:
0xb7: {  	(tag) =	ssettag $0x2  }
0xb8: {  	s0 =	rddreg [dreg:$0x0];
	s2 =	stileid.u32  }
0xb9: {  	s1 =	rddreg [dreg:$0x1];
	p0 =	sne.s32 s2, $0x0  }
0xba: {  	s3 =	rddreg [dreg:$0x2];
	[bflag:$0x3] =	sbarrier.arrive $0xFFFF;
	s2 =	simm.s32 @!p0 $0x1C03  }
0xbb: {  	[timem:s3], [sflag:s2] =	dma.local @!p0 [hbm:s0], s1  }
0xbc: {  	s0 =	simm.s32 @!p0 $0x3  }
0xbd: {  	_ =	swait.ge @!p0 [sflag:s0], s1  }
0xbe: {  	s1 =	ssub.s32 @!p0 $0x0, s1;
	[sflag:s0] =	ssyncset.done @!p0 $0x0  }
0xbf: {  	[sflag:s0] =	ssyncadd.s32 @!p0 s1  }
0xc0: {  	[bflag:$0x3] =	sbarrier.arrive $0xFFFF  }
0xc1: {  	_ =	shalt  }

// kernel: kernel.17.cloned.1.call-start
scs
__scs_entry_jumppad:
0x0: {  	(pc) =	sbr.rel $0x88, $3  }
0x1: {  	(tag) =	ssettag $0x0;
	lr =	simm.s32 $0x1  }
0x2: {  	[smem:$0x3F99] =	sst lr;
	_ =	strace $0xD0000000  }
0x3: {  	_ = 	snop  }
0x4: {  	_ = 	snop  }
0x5: {  	_ = 	snop  }
0x6: {  	_ = 	snop  }
0x7: {  	_ = 	snop  }
__scs_overlays_trampoline_lowered:
0x8: {  	[smem:$0x3FA8] =	sst s0  }
0x9: {  	[smem:$0x3FA9] =	sst s1  }
0xa: {  	[smem:$0x3FAA] =	sst s2  }
0xb: {  	[smem:$0x3FAB] =	sst s3  }
0xc: {  	[smem:$0x3FAC] =	sst s4  }
0xd: {  	[smem:$0x3FAD] =	sst s5  }
0xe: {  	[smem:$0x3FAE] =	sst s6  }
0xf: {  	[smem:$0x3FAF] =	sst s7  }
0x10: {  	[smem:$0x3FB0] =	sst s8  }
0x11: {  	[smem:$0x3FB1] =	sst s9;
	s0 =	simm.s32 @!p0 $0x0  }
0x12: {  	s1 =	sld [smem:$0x3F97];
	s0 =	simm.s32 @p0 $0x1  }
0x13: {  	[smem:$0x3FB2] =	sst s0;
	s0 =	simm.s32 @!p1 $0x0  }
0x14: {  	s2 =	sld [smem:$0x3F96];
	s0 =	simm.s32 @p1 $0x1  }
0x15: {  	[smem:$0x3FB3] =	sst s0;
	s0 =	simm.s32 @!p2 $0x0  }
0x16: {  	s3 =	sld [smem:$0x3FDB];
	s0 =	simm.s32 @p2 $0x1  }
0x17: {  	s4 =	simm.s32 $0x1BF5;
	[smem:$0x3FB5] =	sst s0  }
0x18: {  	s0 =	sld [smem:$0x3F98];
	_ =	swait.ge [sflag:s4], $0x0  }
0x19: {  	s7 =	sld [smem:$0x3F99]  }
0x1a: {  	s8 =	sadd.s32 $0xFFFFE003, lr  }
0x1b: {  	s9 =	sadd.s32 $0xFFFFFEF7, lr;
	s5 =	simm.s32 $0xFFFFFFFF;
	p2 =	slt.u32 s8, $0xFFFFF086  }
0x1c: {  	p1 =	slt.u32 s9, $0xF7A;
	s5 =	simm.s32 @!p2 $0x0  }
0x1d: {  	s5 =	simm.s32 @p1 $0x1;
	p0 =	seq.s32 s7, s2  }
0x1e: {  	s7 =	smul.u32 @!p0 $0xF7A, s2;
	p2 =	seq.s32 @!p0 s5, $0x0  }
0x1f: {  	s9 =	smul.u32 $0xF7A, s1;
	s8 =	simm.s32 @!p0 $0x1BF5;
	p2 =	por !p2, p0  }
0x20: {  	[sflag:s8] =	ssyncset.s32 @!p0 $0xFFFFF086;
	s6 =	sadd.s32 @!p0 s3, s7;
	s7 =	simm.s32 @!p0 $0x108  }
0x21: {  	s3 =	sadd.s32 s3, s9;
	s6 =	sadd.s32 @!p0 $0x88, s6;
	s7 =	simm.s32 @p2 $0x1082  }
0x22: {  	[simem:s7], [sflag:s8] =	dma.local @!p0 [hbm:s6], $0xF7A  }
0x23: {  	s9 =	sor.u32 $0xD0000000, s2;
	s6 =	simm.s32 $0x108;
	_ =	swait.ge @!p0 [sflag:s8], $0x0  }
0x24: {  	s3 =	sadd.s32 $0x88, s3;
	s6 =	simm.s32 @!p1 $0x1082;
	[sflag:s4] =	ssyncset.s32 $0xFFFFF086  }
0x25: {  	[simem:s6], [sflag:s4] =	dma.local [hbm:s3], $0xF7A  }
0x26: {  	[smem:$0x3F99] =	sst s1;
	(tag) =	ssettag s2;
	_ =	strace s9  }
0x27: {  	s1 =	sld [smem:$0x3FA9]  }
0x28: {  	s2 =	sld [smem:$0x3FAA]  }
0x29: {  	s4 =	sld [smem:$0x3FAC]  }
0x2a: {  	p0 =	seq.s32 s5, $0x0;
	s5 =	sld [smem:$0x3FAD]  }
0x2b: {  	s6 =	sld [smem:$0x3FAE]  }
0x2c: {  	s7 =	sld [smem:$0x3FAF]  }
0x2d: {  	s3 =	simm.s32 $0x108;
	s8 =	sld [smem:$0x3FB0]  }
0x2e: {  	s3 =	simm.s32 @!p0 $0x1082;
	s9 =	sld [smem:$0x3FB1]  }
0x2f: {  	lr =	sadd.s32 s0, s3;
	s0 =	sld [smem:$0x3FA8]  }
0x30: {  	s3 =	sld [smem:$0x3FAB]  }
0x31: {  	[smem:$0x3FB4] =	sst s10  }
0x32: {  	s10 =	sld [smem:$0x3FB2];
	_ =	sdelay $0x3  }
0x33: {  	p0 =	seq.s32 s10, $0x1;
	s10 =	sld [smem:$0x3FB4];
	_ =	sdelay $0x3  }
0x34: {  	[smem:$0x3FB4] =	sst s10  }
0x35: {  	s10 =	sld [smem:$0x3FB3];
	_ =	sdelay $0x3  }
0x36: {  	p1 =	seq.s32 s10, $0x1;
	s10 =	sld [smem:$0x3FB4];
	_ =	sdelay $0x3  }
0x37: {  	[smem:$0x3FB4] =	sst s10  }
0x38: {  	s10 =	sld [smem:$0x3FB5]  }
0x39: {  	_ = 	snop;
	(pc) =	sbr.ind lr, $3  }
0x3a: {  	_ = 	snop  }
0x3b: {  	_ = 	snop  }
0x3c: {  	p2 =	seq.s32 s10, $0x1;
	s10 =	sld [smem:$0x3FB4]  }
0x3d: {  	_ =	shalt  }
0x3e: {  	_ =	shalt  }
0x3f: {  	_ =	shalt  }
0x40: {  	_ =	shalt  }
0x41: {  	_ =	shalt  }
0x42: {  	_ =	shalt  }
0x43: {  	_ =	shalt  }
0x44: {  	_ =	shalt  }
0x45: {  	_ =	shalt  }
0x46: {  	_ =	shalt  }
0x47: {  	_ =	shalt  }
0x48: {  	_ =	shalt  }
0x49: {  	_ =	shalt  }
0x4a: {  	_ =	shalt  }
0x4b: {  	_ =	shalt  }
0x4c: {  	_ =	shalt  }
0x4d: {  	_ =	shalt  }
0x4e: {  	_ =	shalt  }
0x4f: {  	_ =	shalt  }
0x50: {  	_ =	shalt  }
0x51: {  	_ =	shalt  }
0x52: {  	_ =	shalt  }
0x53: {  	_ =	shalt  }
0x54: {  	_ =	shalt  }
0x55: {  	_ =	shalt  }
0x56: {  	_ =	shalt  }
0x57: {  	_ =	shalt  }
0x58: {  	_ =	shalt  }
0x59: {  	_ =	shalt  }
0x5a: {  	_ =	shalt  }
0x5b: {  	_ =	shalt  }
0x5c: {  	_ =	shalt  }
0x5d: {  	_ =	shalt  }
0x5e: {  	_ =	shalt  }
0x5f: {  	_ =	shalt  }
0x60: {  	_ =	shalt  }
0x61: {  	_ =	shalt  }
0x62: {  	_ =	shalt  }
0x63: {  	_ =	shalt  }
0x64: {  	_ =	shalt  }
0x65: {  	_ =	shalt  }
0x66: {  	_ =	shalt  }
0x67: {  	_ =	shalt  }
0x68: {  	_ =	shalt  }
0x69: {  	_ =	shalt  }
0x6a: {  	_ =	shalt  }
0x6b: {  	_ =	shalt  }
0x6c: {  	_ =	shalt  }
0x6d: {  	_ =	shalt  }
0x6e: {  	_ =	shalt  }
0x6f: {  	_ =	shalt  }
0x70: {  	_ =	shalt  }
0x71: {  	_ =	shalt  }
0x72: {  	_ =	shalt  }
0x73: {  	_ =	shalt  }
0x74: {  	_ =	shalt  }
0x75: {  	_ =	shalt  }
0x76: {  	_ =	shalt  }
0x77: {  	_ =	shalt  }
0x78: {  	_ =	shalt  }
0x79: {  	_ =	shalt  }
0x7a: {  	_ =	shalt  }
0x7b: {  	_ =	shalt  }
0x7c: {  	_ =	shalt  }
0x7d: {  	_ =	shalt  }
0x7e: {  	_ =	shalt  }
0x7f: {  	_ =	shalt  }
0x80: {  	_ =	shalt  }
0x81: {  	_ =	shalt  }
0x82: {  	_ =	shalt  }
0x83: {  	_ =	shalt  }
0x84: {  	_ =	shalt  }
0x85: {  	_ =	shalt  }
0x86: {  	_ =	shalt  }
0x87: {  	_ =	shalt  }
.Lfunc_end0:
.L_simem_size_0:
called_computation.2_lowered:
.L_overlay_start_0:
0x88: {  	s2 =	sld [smem:$0x3FD9]  }
0x89: {  	s3 =	sld [smem:$0x3FFE];
	_ =	sdelay $0x1  }
0x8a: {  	s1 =	srdreg.scid  }
0x8b: {  	s0 =	sand.u32 $0x1, s1  }
0x8c: {  	s17 =	sshll.u32 s0, $0xA;
	s2 =	sadd.s32 s3, s2  }
0x8d: {  	s2 =	sadd.s32 s2, s17  }
0x8e: {  	[smem:$0x3FC0] =	sst s2  }
0x8f: {  	_ = 	snop  }
0x90: {  	s2 =	sld [smem:$0x3FD0];
	(tm) =	ssettm $0x1  }
0x91: {  	s18 =	sld [smem:$0x3FFB];
	_ =	sdelay $0x3  }
0x92: {  	_ =	strace s18  }
0x93: {  	s3 =	sld [smem:$0x3FFC];
	_ =	sdelay $0x3  }
0x94: {  	_ =	strace s3  }
0x95: {  	s3 =	sld [smem:$0x3FFD];
	_ =	sdelay $0x3  }
0x96: {  	_ =	strace s3  }
0x97: {  	_ =	strace $0x8FFFFFFF  }
0x98: {  	s19 =	sld [smem:$0x3FDB];
	_ =	sdelay $0x1  }
0x99: {  	s4 =	simm.s32 $_scs_section_size  }
0x9a: {  	s5 =	simm.s32 $_size__tile_overlayer_lowered;
	s6 =	simm.s32 $_tile_overlayer_lowered  }
0x9b: {  	s22 =	simm.s32 $0x1BFF;
	s21 =	sshll.u32 s6, $0x1;
	s3 =	sadd.s32 s4, s19  }
0x9c: {  	s7 =	simm.s32 $0x0;
	s20 =	sshll.u32 s5, $0x1;
	s5 =	sadd.s32 s21, s3  }
0x9d: {  	[timem:s7], [sflag:s22] =	dma.local [hbm:s5], s20  }
0x9e: {  	_ =	swait.ge [sflag:s22], s20  }
0x9f: {  	s4 =	ssub.s32 $0x0, s20;
	[sflag:s22] =	ssyncset.done $0x0  }
0xa0: {  	[sflag:s22] =	ssyncadd.s32 s4;
	_ =	sdelay $0x1  }
0xa1: {  	s23 =	simm.s32 $0x1B8B  }
0xa2: {  	_ =	swait.ge [sflag:s23], $0x1  }
0xa3: {  	[sflag:s23] =	ssyncset.done $0x0  }
0xa4: {  	s25 =	simm.s32 $0x1B8E;
	s24 =	sld [smem:$0x3FFE];
	[sflag:s23] =	ssyncadd.s32 $0xFFFFFFFF  }
0xa5: {  	s26 =	simm.s32 $execute0_lowered;
	[smem:$0x3FD2] =	sst s25  }
0xa6: {  	s5 =	sshll.u32 s26, $0x1;
	_ =	strace $0x8000004C;
	[dreg:$0x1] =	wrdreg $0xFFFFFFFF  }
0xa7: {  	s28 =	simm.s32 $_size_execute0_lowered;
	s3 =	sadd.s32 s3, s5;
	[dreg:$0x0] =	wrdreg $0x0  }
0xa8: {  	s5 =	sshll.u32 s28, $0x1;
	[dreg:$0x2] =	wrdreg s3  }
0xa9: {  	[dreg:$0x3] =	wrdreg s5  }
0xaa: {  	[dreg:$0x4] =	wrdreg $0xC0  }
0xab: {  	_ =	task [dreg:s7], $0x5FFFF  }
0xac: {  	[dreg:$0x1] =	wrdreg $0xFFFFFFFF  }
0xad: {  	[dreg:$0x0] =	wrdreg $0x60  }
0xae: {  	[dreg:$0x2] =	wrdreg s24  }
0xaf: {  	[dreg:$0x3] =	wrdreg s2  }
0xb0: {  	[dreg:$0x4] =	wrdreg $0xA8000  }
0xb1: {  	[dreg:$0x5] =	wrdreg $0x9  }
0xb2: {  	_ =	task.clear_ibuf [dreg:s7], $0x6FFFF;
	_ =	strace $0x9000004C  }
0xb3: {  	s29 =	simm.s32 $0x9;
	_ =	strace $0x8000004E  }
0xb4: {  	_ =	swait.ge [sflag:s29], $0x1  }
0xb5: {  	[sflag:s29] =	ssyncadd.s32 $0xFFFFFFFF  }
0xb6: {  	_ =	strace $0x9000004E  }
0xb7: {  	_ =	sfence  }
0xb8: {  	s30 =	sld [smem:$0x0];
	_ =	sdelay $0x2  }
0xb9: {  	s31 =	sshll.u32 s1, $0xD;
	s1 =	sshrl.u32 s1, $0x2  }
0xba: {  	s3 =	sand.u32 $0x4000, s31;
	s1 =	sadd.s32 s1, s30  }
0xbb: {  	s0 =	sor.u32 s3, s0;
	s1 =	sshll.u32 s1, $0x11  }
0xbc: {  	s0 =	sor.u32 s1, s0  }
0xbd: {  	s0 =	sadd.s32 $0x8F2B, s0  }
0xbe: {  	[sflag:s0] =	ssyncadd.remote.s32 $0x1  }
0xbf: {  	_ =	sfence.sel $0xFFFF  }
0xc0: {  	[dreg:$0x0] =	wrdreg $0xFFFFFFFF;
	(pc) =	sbr.abs _section_cstart, $3  }
0xc1: {  	[dreg:$0x1] =	wrdreg $0xFFFFFFFF  }
0xc2: {  	_ =	task.clear_ibuf [dreg:s7], $0x2FFFF;
	_ =	strace $0x9FFFFFFF  }
0xc3: {  	(tm) =	ssettm $0x7FFFFFFF  }
tec
execute0_lowered:
.L_overlay_start_1:
0x0: {  	(tag) =	ssettag $0x1  }
0x1: {  	s5 =	rddreg [dreg:$0x0]  }
0x2: {  	s12 =	rddreg [dreg:$0x1]  }
0x3: {  	s2 =	rddreg [dreg:$0x2]  }
0x4: {  	s0 =	rddreg [dreg:$0x3];
	s1 =	stileid.u32  }
0x5: {  	s4 =	srdreg.scid;
	s3 =	simm.s32 $0x0;
	s15 =	simm.s32 $0x1400  }
0x6: {  	s16 =	simm.s32 $0x80;
	s17 =	simm.s32 $0x2800;
	s18 =	simm.s32 $0x6800  }
0x7: {  	s19 =	simm.s32 $0x1;
	s20 =	simm.s32 $0x2;
	s21 =	simm.s32 $0x1380  }
0x8: {  	s22 =	simm.s32 $0x2700;
	s6 =	smul.u32 $0x13C00, s1;
	s7 =	sand.u32 $0x1, s4  }
0x9: {  	[smem:$0x7FF] =	sst s3;
	s4 =	sadd.s32 $0xCC00, s5;
	s10 =	smul.u32 $0x4F000, s1  }
0xa: {  	s11 =	sadd.s32 $0x2C00, s5;
	s29 =	sshll.u32 s1, $0x6;
	s8 =	smul.u32 $0x13C000, s7  }
0xb: {  	_ =	strace $0x8000004D;
	s23 =	ssub.s32 $0x2, s7;
	s25 =	sshll.u32 s7, $0x4  }
0xc: {  	s9 =	sshrl.u32 s6, $0x3;
	s24 =	sshrl.u32 s23, $0x1;
	s26 =	sor.u32 s1, s25  }
0xd: {  	s28 =	sshrl.u32 s10, $0x2;
	s9 =	sadd.s32 s9, s5;
	s6 =	sadd.s32 s6, s8  }
0xe: {  	s8 =	ssub.s32 s23, s24;
	s14 =	sadd.s32 s28, s2;
	s30 =	smul.u32 $0x500, s26  }
0xf: {  	s23 =	simm.s32 $0x2780;
	s24 =	simm.s32 $0x0;
	s6 =	sshrl.u32 s6, $0x3  }
0x10: {  	s8 =	smax.u32 s8, $0x1;
	s13 =	sadd.s32 s6, s5;
	s5 =	sadd.s32 $0x33E00, s9  }
0x11: {  	s6 =	sor.u32 $0x1C03, s29;
	s9 =	sadd.s32 s11, s30;
	s31 =	sadd.s32 $0x280, s30  }
0x12: {  	s10 =	sadd.s32 s12, s30;
	s7 =	sadd.s32 $0x5B600, s13;
	s11 =	sadd.s32 s11, s31  }
0x13: {  	s12 =	sadd.s32 s12, s31;
	s13 =	sshrl.u32 s14, $0x3;
	s14 =	simm.s32 $0x3  }
.LBB2_1:
0x14: {  	[spmem:s13], [sflag:s6] =	dma.local [hbm:s5], $0x2780  }
0x15: {  	_ =	swait.ge [sflag:s14], $0x2780  }
0x16: {  	[sflag:s14] =	ssyncset.done $0x0  }
0x17: {  	[sflag:s14] =	ssyncadd.s32 $0xFFFFD880  }
0x18: {  	[bflag:$0x0] =	sbarrier.arrive $0xFFFF  }
0x19: {  	[tilespmem:s3], [sflag:$0x3] =	stream.linear.gather [hbm4b:s9+s3], $0x1400, $0x38;
	[tilespmem:$0x1E400] =	vst v63  }
0x1a: {  	_ =	swait.ge [sflag:s14], $0x1400  }
0x1b: {  	[sflag:s14] =	ssyncset.done $0x0  }
0x1c: {  	[sflag:s14] =	ssyncadd.s32 $0xFFFFEC00  }
0x1d: {  	[tilespmem:s15], [sflag:$0x3] =	stream.linear.gather [hbm4b:s10+s3], $0x1400, $0x38;
	[tilespmem:$0x1E400] =	vst v63  }
0x1e: {  	_ =	swait.ge [sflag:s14], $0x1400  }
0x1f: {  	[sflag:s14] =	ssyncset.done $0x0  }
0x20: {  	[sflag:s14] =	ssyncadd.s32 $0xFFFFEC00  }
0x21: {  	[tilespmem:s17], [sflag:$0x1] =	stream.indirect.gather [hbm4b:s4+s16], $0x80, s3, s16, $0xb8;
	[tilespmem:$0x1E400] =	vst v63  }
0x22: {  	s25 =	simm.s32 $0x80  }
0x23: {  	[tilespmem:s18], [sflag:$0x2] =	stream.indirect.gather [hbm4b:s4+s16], $0x80, s25, s16, $0xb8;
	[tilespmem:$0x1E400] =	vst v63  }
0x24: {  	_ =	swait.ge [sflag:s19], $0x4000  }
0x25: {  	[sflag:s19] =	ssyncset.done $0x0  }
0x26: {  	s29 =	simm.s32 $0x1400;
	[sflag:s19] =	ssyncadd.s32 $0xFFFFC000  }
0x27: {  	[spmem:s2] =	stream.indirect.scatter.add.f32 [tilespmem:s17], [sflag:$0x3], $0x80, s29, s16, $0xb8;
	[tilespmem:$0x1E400] =	vst v63  }
0x28: {  	_ =	swait.ge [sflag:s14], $0x4000  }
0x29: {  	[sflag:s14] =	ssyncset.done $0x0  }
0x2a: {  	s30 =	simm.s32 $0x100;
	[sflag:s14] =	ssyncadd.s32 $0xFFFFC000  }
0x2b: {  	[tilespmem:s17], [sflag:$0x1] =	stream.indirect.gather [hbm4b:s4+s16], $0x80, s30, s16, $0xb8;
	[tilespmem:$0x1E400] =	vst v63  }
0x2c: {  	_ =	swait.ge [sflag:s20], $0x4000  }
0x2d: {  	[sflag:s20] =	ssyncset.done $0x0  }
0x2e: {  	s31 =	simm.s32 $0x1480;
	[sflag:s20] =	ssyncadd.s32 $0xFFFFC000  }
0x2f: {  	[spmem:s2] =	stream.indirect.scatter.add.f32 [tilespmem:s18], [sflag:$0x3], $0x80, s31, s16, $0xb8;
	[tilespmem:$0x1E400] =	vst v63  }
0x30: {  	_ =	swait.ge [sflag:s14], $0x4000  }
0x31: {  	s26 =	simm.s32 $0x800;
	s25 =	simm.s32 $0x100;
	[sflag:s14] =	ssyncset.done $0x0  }
.LBB2_2:
0x32: {  	s28 =	sadd.s32 $0x80, s25  }
0x33: {  	[sflag:s14] =	ssyncadd.s32 $0xFFFFC000;
	s29 =	smov.u32 s26;
	s30 =	sadd.s32 $0x400, s26  }
0x34: {  	[tilespmem:s18], [sflag:$0x2] =	stream.indirect.gather [hbm4b:s4+s16], $0x80, s28, s16, $0xb8;
	[tilespmem:$0x1E400] =	vst v63  }
0x35: {  	p0 =	sne.s32 s26, $0x4800;
	_ =	swait.ge [sflag:s19], $0x4000  }
0x36: {  	[sflag:s19] =	ssyncset.done $0x0  }
0x37: {  	s26 =	sadd.s32 $0x1400, s25;
	[sflag:s19] =	ssyncadd.s32 $0xFFFFC000  }
0x38: {  	[spmem:s2] =	stream.indirect.scatter.add.f32 [tilespmem:s17], [sflag:$0x3], $0x80, s26, s16, $0xb8;
	[tilespmem:$0x1E400] =	vst v63  }
0x39: {  	_ =	swait.ge [sflag:s14], $0x4000  }
0x3a: {  	[sflag:s14] =	ssyncset.done $0x0  }
0x3b: {  	s26 =	sadd.s32 $0x100, s25;
	[sflag:s14] =	ssyncadd.s32 $0xFFFFC000  }
0x3c: {  	[tilespmem:s17], [sflag:$0x1] =	stream.indirect.gather [hbm4b:s4+s16], $0x80, s26, s16, $0xb8;
	[tilespmem:$0x1E400] =	vst v63  }
0x3d: {  	_ =	swait.ge [sflag:s20], $0x4000  }
.Ltmp0:
0x3e: {  	[sflag:s20] =	ssyncset.done $0x0;
	(pc) =	sbr.rel @p0 .LBB2_2-.Ltmp0, $4  }
0x3f: {  	s25 =	sadd.s32 $0x1480, s25;
	[sflag:s20] =	ssyncadd.s32 $0xFFFFC000  }
0x40: {  	[spmem:s2] =	stream.indirect.scatter.add.f32 [tilespmem:s18], [sflag:$0x3], $0x80, s25, s16, $0xb8;
	[tilespmem:$0x1E400] =	vst v63  }
0x41: {  	_ =	swait.ge [sflag:s14], $0x4000  }
0x42: {  	s26 =	smov.u32 s30;
	s25 =	sshra.s32 s29, $0x2;
	[sflag:s14] =	ssyncset.done $0x0  }
0x43: {  	s26 =	sadd.s32 $0x80, s25;
	[sflag:s14] =	ssyncadd.s32 $0xFFFFC000  }
0x44: {  	[tilespmem:s18], [sflag:$0x2] =	stream.indirect.gather [hbm4b:s4+s16], $0x80, s26, s16, $0xb8;
	[tilespmem:$0x1E400] =	vst v63  }
0x45: {  	_ =	swait.ge [sflag:s19], $0x4000  }
0x46: {  	[sflag:s19] =	ssyncset.done $0x0  }
0x47: {  	s29 =	sadd.s32 $0x1400, s25;
	[sflag:s19] =	ssyncadd.s32 $0xFFFFC000  }
0x48: {  	[spmem:s2] =	stream.indirect.scatter.add.f32 [tilespmem:s17], [sflag:$0x3], $0x80, s29, s16, $0xb8;
	[tilespmem:$0x1E400] =	vst v63  }
0x49: {  	_ =	swait.ge [sflag:s14], $0x4000  }
0x4a: {  	[sflag:s14] =	ssyncset.done $0x0  }
0x4b: {  	s30 =	sadd.s32 $0x100, s25;
	[sflag:s14] =	ssyncadd.s32 $0xFFFFC000  }
0x4c: {  	[tilespmem:s17], [sflag:$0x1] =	stream.indirect.gather [hbm4b:s4+s16], $0x80, s30, s16, $0xb8;
	[tilespmem:$0x1E400] =	vst v63  }
0x4d: {  	_ =	swait.ge [sflag:s20], $0x4000  }
0x4e: {  	[sflag:s20] =	ssyncset.done $0x0  }
0x4f: {  	s31 =	sadd.s32 $0x1480, s25;
	[sflag:s20] =	ssyncadd.s32 $0xFFFFC000  }
0x50: {  	[spmem:s2] =	stream.indirect.scatter.add.f32 [tilespmem:s18], [sflag:$0x3], $0x80, s31, s16, $0xb8;
	[tilespmem:$0x1E400] =	vst v63  }
0x51: {  	_ =	swait.ge [sflag:s14], $0x4000  }
0x52: {  	[sflag:s14] =	ssyncset.done $0x0  }
0x53: {  	[sflag:s14] =	ssyncadd.s32 $0xFFFFC000  }
0x54: {  	[tilespmem:s18], [sflag:$0x2] =	stream.indirect.gather [hbm4b:s4+s16], $0x80, s21, s16, $0xb8;
	[tilespmem:$0x1E400] =	vst v63  }
0x55: {  	_ =	swait.ge [sflag:s19], $0x4000  }
0x56: {  	[sflag:s19] =	ssyncset.done $0x0  }
0x57: {  	[sflag:s19] =	ssyncadd.s32 $0xFFFFC000  }
0x58: {  	[spmem:s2] =	stream.indirect.scatter.add.f32 [tilespmem:s17], [sflag:$0x3], $0x80, s22, s16, $0xb8;
	[tilespmem:$0x1E400] =	vst v63  }
0x59: {  	_ =	swait.ge [sflag:s14], $0x4000  }
0x5a: {  	[sflag:s14] =	ssyncset.done $0x0  }
0x5b: {  	[sflag:s14] =	ssyncadd.s32 $0xFFFFC000  }
0x5c: {  	_ =	swait.ge [sflag:s20], $0x4000  }
0x5d: {  	[sflag:s20] =	ssyncset.done $0x0  }
0x5e: {  	[sflag:s20] =	ssyncadd.s32 $0xFFFFC000  }
0x5f: {  	[spmem:s2] =	stream.indirect.scatter.add.f32 [tilespmem:s18], [sflag:$0x3], $0x80, s23, s16, $0xb8;
	[tilespmem:$0x1E400] =	vst v63  }
0x60: {  	_ =	swait.ge [sflag:s14], $0x4000  }
0x61: {  	[sflag:s14] =	ssyncset.done $0x0  }
0x62: {  	s26 =	simm.s32 $0x0;
	[sflag:s14] =	ssyncadd.s32 $0xFFFFC000  }
0x63: {  	[tilespmem:s26], [sflag:$0x3] =	stream.linear.gather [hbm4b:s11+s26], $0x1400, $0x38;
	[tilespmem:$0x1E400] =	vst v63  }
0x64: {  	_ =	swait.ge [sflag:s14], $0x1400  }
0x65: {  	[sflag:s14] =	ssyncset.done $0x0  }
0x66: {  	[sflag:s14] =	ssyncadd.s32 $0xFFFFEC00  }
0x67: {  	[tilespmem:s15], [sflag:$0x3] =	stream.linear.gather [hbm4b:s12+s26], $0x1400, $0x38;
	[tilespmem:$0x1E400] =	vst v63  }
0x68: {  	_ =	swait.ge [sflag:s14], $0x1400  }
0x69: {  	[sflag:s14] =	ssyncset.done $0x0  }
0x6a: {  	[sflag:s14] =	ssyncadd.s32 $0xFFFFEC00  }
0x6b: {  	[tilespmem:s17], [sflag:$0x1] =	stream.indirect.gather [hbm4b:s4+s16], $0x80, s26, s16, $0xb8;
	[tilespmem:$0x1E400] =	vst v63  }
0x6c: {  	s28 =	simm.s32 $0x80  }
0x6d: {  	[tilespmem:s18], [sflag:$0x2] =	stream.indirect.gather [hbm4b:s4+s16], $0x80, s28, s16, $0xb8;
	[tilespmem:$0x1E400] =	vst v63  }
0x6e: {  	_ =	swait.ge [sflag:s19], $0x4000  }
0x6f: {  	[sflag:s19] =	ssyncset.done $0x0  }
0x70: {  	s29 =	simm.s32 $0x1400;
	[sflag:s19] =	ssyncadd.s32 $0xFFFFC000  }
0x71: {  	[spmem:s2] =	stream.indirect.scatter.add.f32 [tilespmem:s17], [sflag:$0x3], $0x80, s29, s16, $0xb8;
	[tilespmem:$0x1E400] =	vst v63  }
0x72: {  	_ =	swait.ge [sflag:s14], $0x4000  }
0x73: {  	[sflag:s14] =	ssyncset.done $0x0  }
0x74: {  	s30 =	simm.s32 $0x100;
	[sflag:s14] =	ssyncadd.s32 $0xFFFFC000  }
0x75: {  	[tilespmem:s17], [sflag:$0x1] =	stream.indirect.gather [hbm4b:s4+s16], $0x80, s30, s16, $0xb8;
	[tilespmem:$0x1E400] =	vst v63  }
0x76: {  	_ =	swait.ge [sflag:s20], $0x4000  }
0x77: {  	[sflag:s20] =	ssyncset.done $0x0  }
0x78: {  	s31 =	simm.s32 $0x1480;
	[sflag:s20] =	ssyncadd.s32 $0xFFFFC000  }
0x79: {  	[spmem:s2] =	stream.indirect.scatter.add.f32 [tilespmem:s18], [sflag:$0x3], $0x80, s31, s16, $0xb8;
	[tilespmem:$0x1E400] =	vst v63  }
0x7a: {  	_ =	swait.ge [sflag:s14], $0x4000  }
0x7b: {  	s25 =	simm.s32 $0x100;
	s26 =	simm.s32 $0x800;
	[sflag:s14] =	ssyncset.done $0x0  }
.LBB2_4:
0x7c: {  	s28 =	sadd.s32 $0x80, s25  }
0x7d: {  	[sflag:s14] =	ssyncadd.s32 $0xFFFFC000;
	s29 =	smov.u32 s26;
	s30 =	sadd.s32 $0x400, s26  }
0x7e: {  	[tilespmem:s18], [sflag:$0x2] =	stream.indirect.gather [hbm4b:s4+s16], $0x80, s28, s16, $0xb8;
	[tilespmem:$0x1E400] =	vst v63  }
0x7f: {  	p0 =	sne.s32 s26, $0x4800;
	_ =	swait.ge [sflag:s19], $0x4000  }
0x80: {  	[sflag:s19] =	ssyncset.done $0x0  }
0x81: {  	s26 =	sadd.s32 $0x1400, s25;
	[sflag:s19] =	ssyncadd.s32 $0xFFFFC000  }
0x82: {  	[spmem:s2] =	stream.indirect.scatter.add.f32 [tilespmem:s17], [sflag:$0x3], $0x80, s26, s16, $0xb8;
	[tilespmem:$0x1E400] =	vst v63  }
0x83: {  	_ =	swait.ge [sflag:s14], $0x4000  }
0x84: {  	[sflag:s14] =	ssyncset.done $0x0  }
0x85: {  	s26 =	sadd.s32 $0x100, s25;
	[sflag:s14] =	ssyncadd.s32 $0xFFFFC000  }
0x86: {  	[tilespmem:s17], [sflag:$0x1] =	stream.indirect.gather [hbm4b:s4+s16], $0x80, s26, s16, $0xb8;
	[tilespmem:$0x1E400] =	vst v63  }
0x87: {  	_ =	swait.ge [sflag:s20], $0x4000  }
.Ltmp1:
0x88: {  	[sflag:s20] =	ssyncset.done $0x0;
	(pc) =	sbr.rel @p0 .LBB2_4-.Ltmp1, $4  }
0x89: {  	s25 =	sadd.s32 $0x1480, s25;
	[sflag:s20] =	ssyncadd.s32 $0xFFFFC000  }
0x8a: {  	[spmem:s2] =	stream.indirect.scatter.add.f32 [tilespmem:s18], [sflag:$0x3], $0x80, s25, s16, $0xb8;
	[tilespmem:$0x1E400] =	vst v63  }
0x8b: {  	_ =	swait.ge [sflag:s14], $0x4000  }
0x8c: {  	s26 =	smov.u32 s30;
	s25 =	sshra.s32 s29, $0x2;
	[sflag:s14] =	ssyncset.done $0x0  }
0x8d: {  	s26 =	sadd.s32 $0x80, s25;
	[sflag:s14] =	ssyncadd.s32 $0xFFFFC000  }
0x8e: {  	[tilespmem:s18], [sflag:$0x2] =	stream.indirect.gather [hbm4b:s4+s16], $0x80, s26, s16, $0xb8;
	[tilespmem:$0x1E400] =	vst v63  }
0x8f: {  	_ =	swait.ge [sflag:s19], $0x4000  }
0x90: {  	[sflag:s19] =	ssyncset.done $0x0  }
0x91: {  	s29 =	sadd.s32 $0x1400, s25;
	[sflag:s19] =	ssyncadd.s32 $0xFFFFC000  }
0x92: {  	[spmem:s2] =	stream.indirect.scatter.add.f32 [tilespmem:s17], [sflag:$0x3], $0x80, s29, s16, $0xb8;
	[tilespmem:$0x1E400] =	vst v63  }
0x93: {  	_ =	swait.ge [sflag:s14], $0x4000  }
0x94: {  	[sflag:s14] =	ssyncset.done $0x0  }
0x95: {  	s30 =	sadd.s32 $0x100, s25;
	[sflag:s14] =	ssyncadd.s32 $0xFFFFC000  }
0x96: {  	[tilespmem:s17], [sflag:$0x1] =	stream.indirect.gather [hbm4b:s4+s16], $0x80, s30, s16, $0xb8;
	[tilespmem:$0x1E400] =	vst v63  }
0x97: {  	_ =	swait.ge [sflag:s20], $0x4000  }
0x98: {  	[sflag:s20] =	ssyncset.done $0x0  }
0x99: {  	s31 =	sadd.s32 $0x1480, s25;
	[sflag:s20] =	ssyncadd.s32 $0xFFFFC000  }
0x9a: {  	[spmem:s2] =	stream.indirect.scatter.add.f32 [tilespmem:s18], [sflag:$0x3], $0x80, s31, s16, $0xb8;
	[tilespmem:$0x1E400] =	vst v63  }
0x9b: {  	_ =	swait.ge [sflag:s14], $0x4000  }
0x9c: {  	[sflag:s14] =	ssyncset.done $0x0  }
0x9d: {  	[sflag:s14] =	ssyncadd.s32 $0xFFFFC000  }
0x9e: {  	[tilespmem:s18], [sflag:$0x2] =	stream.indirect.gather [hbm4b:s4+s16], $0x80, s21, s16, $0xb8;
	[tilespmem:$0x1E400] =	vst v63  }
0x9f: {  	_ =	swait.ge [sflag:s19], $0x4000  }
0xa0: {  	[sflag:s19] =	ssyncset.done $0x0  }
0xa1: {  	[sflag:s19] =	ssyncadd.s32 $0xFFFFC000  }
0xa2: {  	[spmem:s2] =	stream.indirect.scatter.add.f32 [tilespmem:s17], [sflag:$0x3], $0x80, s22, s16, $0xb8;
	[tilespmem:$0x1E400] =	vst v63  }
0xa3: {  	_ =	swait.ge [sflag:s14], $0x4000  }
0xa4: {  	[sflag:s14] =	ssyncset.done $0x0  }
0xa5: {  	[sflag:s14] =	ssyncadd.s32 $0xFFFFC000  }
0xa6: {  	_ =	swait.ge [sflag:s20], $0x4000  }
0xa7: {  	[sflag:s20] =	ssyncset.done $0x0  }
0xa8: {  	[sflag:s20] =	ssyncadd.s32 $0xFFFFC000  }
0xa9: {  	[spmem:s2] =	stream.indirect.scatter.add.f32 [tilespmem:s18], [sflag:$0x3], $0x80, s23, s16, $0xb8;
	[tilespmem:$0x1E400] =	vst v63  }
0xaa: {  	_ =	swait.ge [sflag:s14], $0x4000  }
0xab: {  	s24 =	sadd.s32 $0x1, s24;
	[sflag:s14] =	ssyncset.done $0x0  }
0xac: {  	p0 =	sne.s32 s24, s8;
	[sflag:s14] =	ssyncadd.s32 $0xFFFFC000  }
.Ltmp2:
0xad: {  	[bflag:$0x0] =	sbarrier.arrive $0xFFFF;
	(pc) =	sbr.rel @p0 .LBB2_1-.Ltmp2, $4  }
0xae: {  	[hbm:s7], [sflag:s6] =	dma.local [spmem:s13], $0x2780  }
0xaf: {  	_ =	swait.ge [sflag:s14], $0x2780  }
0xb0: {  	[sflag:s14] =	ssyncset.done $0x0  }
0xb1: {  	[sflag:s14] =	ssyncadd.s32 $0xFFFFD880  }
0xb2: {  	_ =	sfence.sel $0x180000  }
0xb3: {  	[bflag:$0x0] =	sbarrier.arrive $0xFFFF  }
0xb4: {  	p0 =	sne.s32 s1, $0x0;
	_ =	strace $0x9000004D  }
0xb5: {  	s0 =	sadd.s32 @!p0 $0x100000, s0;
	[bflag:$0x2] =	sbarrier.arrive $0xFFFF  }
0xb6: {  	[sflag:s0] =	ssyncadd.tile.s32 @!p0 $0x1;
	_ =	shalt  }
.Lfunc_end2:
_tile_overlayer_lowered:
.L_overlay_start_2:
0xb7: {  	(tag) =	ssettag $0x2  }
0xb8: {  	s0 =	rddreg [dreg:$0x0];
	s2 =	stileid.u32  }
0xb9: {  	s1 =	rddreg [dreg:$0x1];
	p0 =	sne.s32 s2, $0x0  }
0xba: {  	s3 =	rddreg [dreg:$0x2];
	[bflag:$0x3] =	sbarrier.arrive $0xFFFF;
	s2 =	simm.s32 @!p0 $0x1C03  }
0xbb: {  	[timem:s3], [sflag:s2] =	dma.local @!p0 [hbm:s0], s1  }
0xbc: {  	s0 =	simm.s32 @!p0 $0x3  }
0xbd: {  	_ =	swait.ge @!p0 [sflag:s0], s1  }
0xbe: {  	s1 =	ssub.s32 @!p0 $0x0, s1;
	[sflag:s0] =	ssyncset.done @!p0 $0x0  }
0xbf: {  	[sflag:s0] =	ssyncadd.s32 @!p0 s1  }
0xc0: {  	[bflag:$0x3] =	sbarrier.arrive $0xFFFF  }
0xc1: {  	_ =	shalt  }

// kernel: kernel.20.cloned.1.call-start
scs
__scs_entry_jumppad:
0x0: {  	(pc) =	sbr.rel $0x88, $3  }
0x1: {  	(tag) =	ssettag $0x0;
	lr =	simm.s32 $0x1  }
0x2: {  	[smem:$0x3F99] =	sst lr;
	_ =	strace $0xD0000000  }
0x3: {  	_ = 	snop  }
0x4: {  	_ = 	snop  }
0x5: {  	_ = 	snop  }
0x6: {  	_ = 	snop  }
0x7: {  	_ = 	snop  }
__scs_overlays_trampoline_lowered:
0x8: {  	[smem:$0x3FA8] =	sst s0  }
0x9: {  	[smem:$0x3FA9] =	sst s1  }
0xa: {  	[smem:$0x3FAA] =	sst s2  }
0xb: {  	[smem:$0x3FAB] =	sst s3  }
0xc: {  	[smem:$0x3FAC] =	sst s4  }
0xd: {  	[smem:$0x3FAD] =	sst s5  }
0xe: {  	[smem:$0x3FAE] =	sst s6  }
0xf: {  	[smem:$0x3FAF] =	sst s7  }
0x10: {  	[smem:$0x3FB0] =	sst s8  }
0x11: {  	[smem:$0x3FB1] =	sst s9;
	s0 =	simm.s32 @!p0 $0x0  }
0x12: {  	s1 =	sld [smem:$0x3F97];
	s0 =	simm.s32 @p0 $0x1  }
0x13: {  	[smem:$0x3FB2] =	sst s0;
	s0 =	simm.s32 @!p1 $0x0  }
0x14: {  	s2 =	sld [smem:$0x3F96];
	s0 =	simm.s32 @p1 $0x1  }
0x15: {  	[smem:$0x3FB3] =	sst s0;
	s0 =	simm.s32 @!p2 $0x0  }
0x16: {  	s3 =	sld [smem:$0x3FDB];
	s0 =	simm.s32 @p2 $0x1  }
0x17: {  	s4 =	simm.s32 $0x1BF5;
	[smem:$0x3FB5] =	sst s0  }
0x18: {  	s0 =	sld [smem:$0x3F98];
	_ =	swait.ge [sflag:s4], $0x0  }
0x19: {  	s7 =	sld [smem:$0x3F99]  }
0x1a: {  	s8 =	sadd.s32 $0xFFFFE003, lr  }
0x1b: {  	s9 =	sadd.s32 $0xFFFFFEF7, lr;
	s5 =	simm.s32 $0xFFFFFFFF;
	p2 =	slt.u32 s8, $0xFFFFF086  }
0x1c: {  	p1 =	slt.u32 s9, $0xF7A;
	s5 =	simm.s32 @!p2 $0x0  }
0x1d: {  	s5 =	simm.s32 @p1 $0x1;
	p0 =	seq.s32 s7, s2  }
0x1e: {  	s7 =	smul.u32 @!p0 $0xF7A, s2;
	p2 =	seq.s32 @!p0 s5, $0x0  }
0x1f: {  	s9 =	smul.u32 $0xF7A, s1;
	s8 =	simm.s32 @!p0 $0x1BF5;
	p2 =	por !p2, p0  }
0x20: {  	[sflag:s8] =	ssyncset.s32 @!p0 $0xFFFFF086;
	s6 =	sadd.s32 @!p0 s3, s7;
	s7 =	simm.s32 @!p0 $0x108  }
0x21: {  	s3 =	sadd.s32 s3, s9;
	s6 =	sadd.s32 @!p0 $0x88, s6;
	s7 =	simm.s32 @p2 $0x1082  }
0x22: {  	[simem:s7], [sflag:s8] =	dma.local @!p0 [hbm:s6], $0xF7A  }
0x23: {  	s9 =	sor.u32 $0xD0000000, s2;
	s6 =	simm.s32 $0x108;
	_ =	swait.ge @!p0 [sflag:s8], $0x0  }
0x24: {  	s3 =	sadd.s32 $0x88, s3;
	s6 =	simm.s32 @!p1 $0x1082;
	[sflag:s4] =	ssyncset.s32 $0xFFFFF086  }
0x25: {  	[simem:s6], [sflag:s4] =	dma.local [hbm:s3], $0xF7A  }
0x26: {  	[smem:$0x3F99] =	sst s1;
	(tag) =	ssettag s2;
	_ =	strace s9  }
0x27: {  	s1 =	sld [smem:$0x3FA9]  }
0x28: {  	s2 =	sld [smem:$0x3FAA]  }
0x29: {  	s4 =	sld [smem:$0x3FAC]  }
0x2a: {  	p0 =	seq.s32 s5, $0x0;
	s5 =	sld [smem:$0x3FAD]  }
0x2b: {  	s6 =	sld [smem:$0x3FAE]  }
0x2c: {  	s7 =	sld [smem:$0x3FAF]  }
0x2d: {  	s3 =	simm.s32 $0x108;
	s8 =	sld [smem:$0x3FB0]  }
0x2e: {  	s3 =	simm.s32 @!p0 $0x1082;
	s9 =	sld [smem:$0x3FB1]  }
0x2f: {  	lr =	sadd.s32 s0, s3;
	s0 =	sld [smem:$0x3FA8]  }
0x30: {  	s3 =	sld [smem:$0x3FAB]  }
0x31: {  	[smem:$0x3FB4] =	sst s10  }
0x32: {  	s10 =	sld [smem:$0x3FB2];
	_ =	sdelay $0x3  }
0x33: {  	p0 =	seq.s32 s10, $0x1;
	s10 =	sld [smem:$0x3FB4];
	_ =	sdelay $0x3  }
0x34: {  	[smem:$0x3FB4] =	sst s10  }
0x35: {  	s10 =	sld [smem:$0x3FB3];
	_ =	sdelay $0x3  }
0x36: {  	p1 =	seq.s32 s10, $0x1;
	s10 =	sld [smem:$0x3FB4];
	_ =	sdelay $0x3  }
0x37: {  	[smem:$0x3FB4] =	sst s10  }
0x38: {  	s10 =	sld [smem:$0x3FB5]  }
0x39: {  	_ = 	snop;
	(pc) =	sbr.ind lr, $3  }
0x3a: {  	_ = 	snop  }
0x3b: {  	_ = 	snop  }
0x3c: {  	p2 =	seq.s32 s10, $0x1;
	s10 =	sld [smem:$0x3FB4]  }
0x3d: {  	_ =	shalt  }
0x3e: {  	_ =	shalt  }
0x3f: {  	_ =	shalt  }
0x40: {  	_ =	shalt  }
0x41: {  	_ =	shalt  }
0x42: {  	_ =	shalt  }
0x43: {  	_ =	shalt  }
0x44: {  	_ =	shalt  }
0x45: {  	_ =	shalt  }
0x46: {  	_ =	shalt  }
0x47: {  	_ =	shalt  }
0x48: {  	_ =	shalt  }
0x49: {  	_ =	shalt  }
0x4a: {  	_ =	shalt  }
0x4b: {  	_ =	shalt  }
0x4c: {  	_ =	shalt  }
0x4d: {  	_ =	shalt  }
0x4e: {  	_ =	shalt  }
0x4f: {  	_ =	shalt  }
0x50: {  	_ =	shalt  }
0x51: {  	_ =	shalt  }
0x52: {  	_ =	shalt  }
0x53: {  	_ =	shalt  }
0x54: {  	_ =	shalt  }
0x55: {  	_ =	shalt  }
0x56: {  	_ =	shalt  }
0x57: {  	_ =	shalt  }
0x58: {  	_ =	shalt  }
0x59: {  	_ =	shalt  }
0x5a: {  	_ =	shalt  }
0x5b: {  	_ =	shalt  }
0x5c: {  	_ =	shalt  }
0x5d: {  	_ =	shalt  }
0x5e: {  	_ =	shalt  }
0x5f: {  	_ =	shalt  }
0x60: {  	_ =	shalt  }
0x61: {  	_ =	shalt  }
0x62: {  	_ =	shalt  }
0x63: {  	_ =	shalt  }
0x64: {  	_ =	shalt  }
0x65: {  	_ =	shalt  }
0x66: {  	_ =	shalt  }
0x67: {  	_ =	shalt  }
0x68: {  	_ =	shalt  }
0x69: {  	_ =	shalt  }
0x6a: {  	_ =	shalt  }
0x6b: {  	_ =	shalt  }
0x6c: {  	_ =	shalt  }
0x6d: {  	_ =	shalt  }
0x6e: {  	_ =	shalt  }
0x6f: {  	_ =	shalt  }
0x70: {  	_ =	shalt  }
0x71: {  	_ =	shalt  }
0x72: {  	_ =	shalt  }
0x73: {  	_ =	shalt  }
0x74: {  	_ =	shalt  }
0x75: {  	_ =	shalt  }
0x76: {  	_ =	shalt  }
0x77: {  	_ =	shalt  }
0x78: {  	_ =	shalt  }
0x79: {  	_ =	shalt  }
0x7a: {  	_ =	shalt  }
0x7b: {  	_ =	shalt  }
0x7c: {  	_ =	shalt  }
0x7d: {  	_ =	shalt  }
0x7e: {  	_ =	shalt  }
0x7f: {  	_ =	shalt  }
0x80: {  	_ =	shalt  }
0x81: {  	_ =	shalt  }
0x82: {  	_ =	shalt  }
0x83: {  	_ =	shalt  }
0x84: {  	_ =	shalt  }
0x85: {  	_ =	shalt  }
0x86: {  	_ =	shalt  }
0x87: {  	_ =	shalt  }
.Lfunc_end0:
.L_simem_size_0:
called_computation.3_lowered:
.L_overlay_start_0:
0x88: {  	s2 =	sld [smem:$0x3FD9]  }
0x89: {  	s3 =	sld [smem:$0x3FFE];
	_ =	sdelay $0x1  }
0x8a: {  	s1 =	srdreg.scid  }
0x8b: {  	s0 =	sand.u32 $0x1, s1  }
0x8c: {  	s17 =	sshll.u32 s0, $0xA;
	s2 =	sadd.s32 s3, s2  }
0x8d: {  	s2 =	sadd.s32 s2, s17  }
0x8e: {  	[smem:$0x3FC0] =	sst s2  }
0x8f: {  	_ = 	snop  }
0x90: {  	s2 =	sld [smem:$0x3FD0];
	(tm) =	ssettm $0x1  }
0x91: {  	s18 =	sld [smem:$0x3FFB];
	_ =	sdelay $0x3  }
0x92: {  	_ =	strace s18  }
0x93: {  	s3 =	sld [smem:$0x3FFC];
	_ =	sdelay $0x3  }
0x94: {  	_ =	strace s3  }
0x95: {  	s3 =	sld [smem:$0x3FFD];
	_ =	sdelay $0x3  }
0x96: {  	_ =	strace s3  }
0x97: {  	_ =	strace $0x8FFFFFFF  }
0x98: {  	s19 =	sld [smem:$0x3FDB];
	_ =	sdelay $0x1  }
0x99: {  	s4 =	simm.s32 $_scs_section_size  }
0x9a: {  	s5 =	simm.s32 $_size__tile_overlayer_lowered;
	s6 =	simm.s32 $_tile_overlayer_lowered  }
0x9b: {  	s22 =	simm.s32 $0x1BFF;
	s21 =	sshll.u32 s6, $0x1;
	s3 =	sadd.s32 s4, s19  }
0x9c: {  	s7 =	simm.s32 $0x0;
	s20 =	sshll.u32 s5, $0x1;
	s5 =	sadd.s32 s21, s3  }
0x9d: {  	[timem:s7], [sflag:s22] =	dma.local [hbm:s5], s20  }
0x9e: {  	_ =	swait.ge [sflag:s22], s20  }
0x9f: {  	s4 =	ssub.s32 $0x0, s20;
	[sflag:s22] =	ssyncset.done $0x0  }
0xa0: {  	[sflag:s22] =	ssyncadd.s32 s4;
	_ =	sdelay $0x1  }
0xa1: {  	s23 =	simm.s32 $0x1B8B  }
0xa2: {  	_ =	swait.ge [sflag:s23], $0x1  }
0xa3: {  	[sflag:s23] =	ssyncset.done $0x0  }
0xa4: {  	s25 =	simm.s32 $0x1B8E;
	s24 =	sld [smem:$0x3FFE];
	[sflag:s23] =	ssyncadd.s32 $0xFFFFFFFF  }
0xa5: {  	s26 =	simm.s32 $execute0_lowered;
	[smem:$0x3FD2] =	sst s25  }
0xa6: {  	s5 =	sshll.u32 s26, $0x1;
	_ =	strace $0x8000004F;
	[dreg:$0x1] =	wrdreg $0xFFFFFFFF  }
0xa7: {  	s28 =	simm.s32 $_size_execute0_lowered;
	s3 =	sadd.s32 s3, s5;
	[dreg:$0x0] =	wrdreg $0x0  }
0xa8: {  	s5 =	sshll.u32 s28, $0x1;
	[dreg:$0x2] =	wrdreg s3  }
0xa9: {  	[dreg:$0x3] =	wrdreg s5  }
0xaa: {  	[dreg:$0x4] =	wrdreg $0xC0  }
0xab: {  	_ =	task [dreg:s7], $0x5FFFF  }
0xac: {  	[dreg:$0x1] =	wrdreg $0xFFFFFFFF  }
0xad: {  	[dreg:$0x0] =	wrdreg $0x60  }
0xae: {  	[dreg:$0x2] =	wrdreg s24  }
0xaf: {  	[dreg:$0x3] =	wrdreg s2  }
0xb0: {  	[dreg:$0x4] =	wrdreg $0xA8000  }
0xb1: {  	[dreg:$0x5] =	wrdreg $0x9  }
0xb2: {  	_ =	task.clear_ibuf [dreg:s7], $0x6FFFF;
	_ =	strace $0x9000004F  }
0xb3: {  	s29 =	simm.s32 $0x9;
	_ =	strace $0x80000051  }
0xb4: {  	_ =	swait.ge [sflag:s29], $0x1  }
0xb5: {  	[sflag:s29] =	ssyncadd.s32 $0xFFFFFFFF  }
0xb6: {  	_ =	strace $0x90000051  }
0xb7: {  	_ =	sfence  }
0xb8: {  	s30 =	sld [smem:$0x0];
	_ =	sdelay $0x2  }
0xb9: {  	s31 =	sshll.u32 s1, $0xD;
	s1 =	sshrl.u32 s1, $0x2  }
0xba: {  	s3 =	sand.u32 $0x4000, s31;
	s1 =	sadd.s32 s1, s30  }
0xbb: {  	s0 =	sor.u32 s3, s0;
	s1 =	sshll.u32 s1, $0x11  }
0xbc: {  	s0 =	sor.u32 s1, s0  }
0xbd: {  	s0 =	sadd.s32 $0x8F2B, s0  }
0xbe: {  	[sflag:s0] =	ssyncadd.remote.s32 $0x1  }
0xbf: {  	_ =	sfence.sel $0xFFFF  }
0xc0: {  	[dreg:$0x0] =	wrdreg $0xFFFFFFFF;
	(pc) =	sbr.abs _section_cstart, $3  }
0xc1: {  	[dreg:$0x1] =	wrdreg $0xFFFFFFFF  }
0xc2: {  	_ =	task.clear_ibuf [dreg:s7], $0x2FFFF;
	_ =	strace $0x9FFFFFFF  }
0xc3: {  	(tm) =	ssettm $0x7FFFFFFF  }
tec
execute0_lowered:
.L_overlay_start_1:
0x0: {  	(tag) =	ssettag $0x1  }
0x1: {  	s5 =	rddreg [dreg:$0x0]  }
0x2: {  	s12 =	rddreg [dreg:$0x1]  }
0x3: {  	s2 =	rddreg [dreg:$0x2]  }
0x4: {  	s0 =	rddreg [dreg:$0x3];
	s1 =	stileid.u32  }
0x5: {  	s4 =	srdreg.scid;
	s3 =	simm.s32 $0x0;
	s15 =	simm.s32 $0x1400  }
0x6: {  	s16 =	simm.s32 $0x80;
	s17 =	simm.s32 $0x2800;
	s18 =	simm.s32 $0x6800  }
0x7: {  	s19 =	simm.s32 $0x1;
	s20 =	simm.s32 $0x2;
	s21 =	simm.s32 $0x1380  }
0x8: {  	s22 =	simm.s32 $0x2700;
	s6 =	smul.u32 $0x13C00, s1;
	s7 =	sand.u32 $0x1, s4  }
0x9: {  	[smem:$0x7FF] =	sst s3;
	s4 =	sadd.s32 $0xCC00, s5;
	s10 =	smul.u32 $0x4F000, s1  }
0xa: {  	s11 =	sadd.s32 $0x2C00, s5;
	s29 =	sshll.u32 s1, $0x6;
	s8 =	smul.u32 $0x13C000, s7  }
0xb: {  	_ =	strace $0x80000050;
	s23 =	ssub.s32 $0x2, s7;
	s25 =	sshll.u32 s7, $0x4  }
0xc: {  	s9 =	sshrl.u32 s6, $0x3;
	s24 =	sshrl.u32 s23, $0x1;
	s26 =	sor.u32 s1, s25  }
0xd: {  	s28 =	sshrl.u32 s10, $0x2;
	s9 =	sadd.s32 s9, s5;
	s6 =	sadd.s32 s6, s8  }
0xe: {  	s8 =	ssub.s32 s23, s24;
	s14 =	sadd.s32 s28, s2;
	s30 =	smul.u32 $0x500, s26  }
0xf: {  	s23 =	simm.s32 $0x2780;
	s24 =	simm.s32 $0x0;
	s6 =	sshrl.u32 s6, $0x3  }
0x10: {  	s8 =	smax.u32 s8, $0x1;
	s13 =	sadd.s32 s6, s5;
	s5 =	sadd.s32 $0x33E00, s9  }
0x11: {  	s6 =	sor.u32 $0x1C03, s29;
	s9 =	sadd.s32 s11, s30;
	s31 =	sadd.s32 $0x280, s30  }
0x12: {  	s10 =	sadd.s32 s12, s30;
	s7 =	sadd.s32 $0x5B600, s13;
	s11 =	sadd.s32 s11, s31  }
0x13: {  	s12 =	sadd.s32 s12, s31;
	s13 =	sshrl.u32 s14, $0x3;
	s14 =	simm.s32 $0x3  }
.LBB2_1:
0x14: {  	[spmem:s13], [sflag:s6] =	dma.local [hbm:s5], $0x2780  }
0x15: {  	_ =	swait.ge [sflag:s14], $0x2780  }
0x16: {  	[sflag:s14] =	ssyncset.done $0x0  }
0x17: {  	[sflag:s14] =	ssyncadd.s32 $0xFFFFD880  }
0x18: {  	[bflag:$0x0] =	sbarrier.arrive $0xFFFF  }
0x19: {  	[tilespmem:s3], [sflag:$0x3] =	stream.linear.gather [hbm4b:s9+s3], $0x1400, $0x38;
	[tilespmem:$0x1E400] =	vst v63  }
0x1a: {  	_ =	swait.ge [sflag:s14], $0x1400  }
0x1b: {  	[sflag:s14] =	ssyncset.done $0x0  }
0x1c: {  	[sflag:s14] =	ssyncadd.s32 $0xFFFFEC00  }
0x1d: {  	[tilespmem:s15], [sflag:$0x3] =	stream.linear.gather [hbm4b:s10+s3], $0x1400, $0x38;
	[tilespmem:$0x1E400] =	vst v63  }
0x1e: {  	_ =	swait.ge [sflag:s14], $0x1400  }
0x1f: {  	[sflag:s14] =	ssyncset.done $0x0  }
0x20: {  	[sflag:s14] =	ssyncadd.s32 $0xFFFFEC00  }
0x21: {  	[tilespmem:s17], [sflag:$0x1] =	stream.indirect.gather [hbm4b:s4+s16], $0x80, s3, s16, $0xb8;
	[tilespmem:$0x1E400] =	vst v63  }
0x22: {  	s25 =	simm.s32 $0x80  }
0x23: {  	[tilespmem:s18], [sflag:$0x2] =	stream.indirect.gather [hbm4b:s4+s16], $0x80, s25, s16, $0xb8;
	[tilespmem:$0x1E400] =	vst v63  }
0x24: {  	_ =	swait.ge [sflag:s19], $0x4000  }
0x25: {  	[sflag:s19] =	ssyncset.done $0x0  }
0x26: {  	s29 =	simm.s32 $0x1400;
	[sflag:s19] =	ssyncadd.s32 $0xFFFFC000  }
0x27: {  	[spmem:s2] =	stream.indirect.scatter.add.f32 [tilespmem:s17], [sflag:$0x3], $0x80, s29, s16, $0xb8;
	[tilespmem:$0x1E400] =	vst v63  }
0x28: {  	_ =	swait.ge [sflag:s14], $0x4000  }
0x29: {  	[sflag:s14] =	ssyncset.done $0x0  }
0x2a: {  	s30 =	simm.s32 $0x100;
	[sflag:s14] =	ssyncadd.s32 $0xFFFFC000  }
0x2b: {  	[tilespmem:s17], [sflag:$0x1] =	stream.indirect.gather [hbm4b:s4+s16], $0x80, s30, s16, $0xb8;
	[tilespmem:$0x1E400] =	vst v63  }
0x2c: {  	_ =	swait.ge [sflag:s20], $0x4000  }
0x2d: {  	[sflag:s20] =	ssyncset.done $0x0  }
0x2e: {  	s31 =	simm.s32 $0x1480;
	[sflag:s20] =	ssyncadd.s32 $0xFFFFC000  }
0x2f: {  	[spmem:s2] =	stream.indirect.scatter.add.f32 [tilespmem:s18], [sflag:$0x3], $0x80, s31, s16, $0xb8;
	[tilespmem:$0x1E400] =	vst v63  }
0x30: {  	_ =	swait.ge [sflag:s14], $0x4000  }
0x31: {  	s26 =	simm.s32 $0x800;
	s25 =	simm.s32 $0x100;
	[sflag:s14] =	ssyncset.done $0x0  }
.LBB2_2:
0x32: {  	s28 =	sadd.s32 $0x80, s25  }
0x33: {  	[sflag:s14] =	ssyncadd.s32 $0xFFFFC000;
	s29 =	smov.u32 s26;
	s30 =	sadd.s32 $0x400, s26  }
0x34: {  	[tilespmem:s18], [sflag:$0x2] =	stream.indirect.gather [hbm4b:s4+s16], $0x80, s28, s16, $0xb8;
	[tilespmem:$0x1E400] =	vst v63  }
0x35: {  	p0 =	sne.s32 s26, $0x4800;
	_ =	swait.ge [sflag:s19], $0x4000  }
0x36: {  	[sflag:s19] =	ssyncset.done $0x0  }
0x37: {  	s26 =	sadd.s32 $0x1400, s25;
	[sflag:s19] =	ssyncadd.s32 $0xFFFFC000  }
0x38: {  	[spmem:s2] =	stream.indirect.scatter.add.f32 [tilespmem:s17], [sflag:$0x3], $0x80, s26, s16, $0xb8;
	[tilespmem:$0x1E400] =	vst v63  }
0x39: {  	_ =	swait.ge [sflag:s14], $0x4000  }
0x3a: {  	[sflag:s14] =	ssyncset.done $0x0  }
0x3b: {  	s26 =	sadd.s32 $0x100, s25;
	[sflag:s14] =	ssyncadd.s32 $0xFFFFC000  }
0x3c: {  	[tilespmem:s17], [sflag:$0x1] =	stream.indirect.gather [hbm4b:s4+s16], $0x80, s26, s16, $0xb8;
	[tilespmem:$0x1E400] =	vst v63  }
0x3d: {  	_ =	swait.ge [sflag:s20], $0x4000  }
.Ltmp0:
0x3e: {  	[sflag:s20] =	ssyncset.done $0x0;
	(pc) =	sbr.rel @p0 .LBB2_2-.Ltmp0, $4  }
0x3f: {  	s25 =	sadd.s32 $0x1480, s25;
	[sflag:s20] =	ssyncadd.s32 $0xFFFFC000  }
0x40: {  	[spmem:s2] =	stream.indirect.scatter.add.f32 [tilespmem:s18], [sflag:$0x3], $0x80, s25, s16, $0xb8;
	[tilespmem:$0x1E400] =	vst v63  }
0x41: {  	_ =	swait.ge [sflag:s14], $0x4000  }
0x42: {  	s26 =	smov.u32 s30;
	s25 =	sshra.s32 s29, $0x2;
	[sflag:s14] =	ssyncset.done $0x0  }
0x43: {  	s26 =	sadd.s32 $0x80, s25;
	[sflag:s14] =	ssyncadd.s32 $0xFFFFC000  }
0x44: {  	[tilespmem:s18], [sflag:$0x2] =	stream.indirect.gather [hbm4b:s4+s16], $0x80, s26, s16, $0xb8;
	[tilespmem:$0x1E400] =	vst v63  }
0x45: {  	_ =	swait.ge [sflag:s19], $0x4000  }
0x46: {  	[sflag:s19] =	ssyncset.done $0x0  }
0x47: {  	s29 =	sadd.s32 $0x1400, s25;
	[sflag:s19] =	ssyncadd.s32 $0xFFFFC000  }
0x48: {  	[spmem:s2] =	stream.indirect.scatter.add.f32 [tilespmem:s17], [sflag:$0x3], $0x80, s29, s16, $0xb8;
	[tilespmem:$0x1E400] =	vst v63  }
0x49: {  	_ =	swait.ge [sflag:s14], $0x4000  }
0x4a: {  	[sflag:s14] =	ssyncset.done $0x0  }
0x4b: {  	s30 =	sadd.s32 $0x100, s25;
	[sflag:s14] =	ssyncadd.s32 $0xFFFFC000  }
0x4c: {  	[tilespmem:s17], [sflag:$0x1] =	stream.indirect.gather [hbm4b:s4+s16], $0x80, s30, s16, $0xb8;
	[tilespmem:$0x1E400] =	vst v63  }
0x4d: {  	_ =	swait.ge [sflag:s20], $0x4000  }
0x4e: {  	[sflag:s20] =	ssyncset.done $0x0  }
0x4f: {  	s31 =	sadd.s32 $0x1480, s25;
	[sflag:s20] =	ssyncadd.s32 $0xFFFFC000  }
0x50: {  	[spmem:s2] =	stream.indirect.scatter.add.f32 [tilespmem:s18], [sflag:$0x3], $0x80, s31, s16, $0xb8;
	[tilespmem:$0x1E400] =	vst v63  }
0x51: {  	_ =	swait.ge [sflag:s14], $0x4000  }
0x52: {  	[sflag:s14] =	ssyncset.done $0x0  }
0x53: {  	[sflag:s14] =	ssyncadd.s32 $0xFFFFC000  }
0x54: {  	[tilespmem:s18], [sflag:$0x2] =	stream.indirect.gather [hbm4b:s4+s16], $0x80, s21, s16, $0xb8;
	[tilespmem:$0x1E400] =	vst v63  }
0x55: {  	_ =	swait.ge [sflag:s19], $0x4000  }
0x56: {  	[sflag:s19] =	ssyncset.done $0x0  }
0x57: {  	[sflag:s19] =	ssyncadd.s32 $0xFFFFC000  }
0x58: {  	[spmem:s2] =	stream.indirect.scatter.add.f32 [tilespmem:s17], [sflag:$0x3], $0x80, s22, s16, $0xb8;
	[tilespmem:$0x1E400] =	vst v63  }
0x59: {  	_ =	swait.ge [sflag:s14], $0x4000  }
0x5a: {  	[sflag:s14] =	ssyncset.done $0x0  }
0x5b: {  	[sflag:s14] =	ssyncadd.s32 $0xFFFFC000  }
0x5c: {  	_ =	swait.ge [sflag:s20], $0x4000  }
0x5d: {  	[sflag:s20] =	ssyncset.done $0x0  }
0x5e: {  	[sflag:s20] =	ssyncadd.s32 $0xFFFFC000  }
0x5f: {  	[spmem:s2] =	stream.indirect.scatter.add.f32 [tilespmem:s18], [sflag:$0x3], $0x80, s23, s16, $0xb8;
	[tilespmem:$0x1E400] =	vst v63  }
0x60: {  	_ =	swait.ge [sflag:s14], $0x4000  }
0x61: {  	[sflag:s14] =	ssyncset.done $0x0  }
0x62: {  	s26 =	simm.s32 $0x0;
	[sflag:s14] =	ssyncadd.s32 $0xFFFFC000  }
0x63: {  	[tilespmem:s26], [sflag:$0x3] =	stream.linear.gather [hbm4b:s11+s26], $0x1400, $0x38;
	[tilespmem:$0x1E400] =	vst v63  }
0x64: {  	_ =	swait.ge [sflag:s14], $0x1400  }
0x65: {  	[sflag:s14] =	ssyncset.done $0x0  }
0x66: {  	[sflag:s14] =	ssyncadd.s32 $0xFFFFEC00  }
0x67: {  	[tilespmem:s15], [sflag:$0x3] =	stream.linear.gather [hbm4b:s12+s26], $0x1400, $0x38;
	[tilespmem:$0x1E400] =	vst v63  }
0x68: {  	_ =	swait.ge [sflag:s14], $0x1400  }
0x69: {  	[sflag:s14] =	ssyncset.done $0x0  }
0x6a: {  	[sflag:s14] =	ssyncadd.s32 $0xFFFFEC00  }
0x6b: {  	[tilespmem:s17], [sflag:$0x1] =	stream.indirect.gather [hbm4b:s4+s16], $0x80, s26, s16, $0xb8;
	[tilespmem:$0x1E400] =	vst v63  }
0x6c: {  	s28 =	simm.s32 $0x80  }
0x6d: {  	[tilespmem:s18], [sflag:$0x2] =	stream.indirect.gather [hbm4b:s4+s16], $0x80, s28, s16, $0xb8;
	[tilespmem:$0x1E400] =	vst v63  }
0x6e: {  	_ =	swait.ge [sflag:s19], $0x4000  }
0x6f: {  	[sflag:s19] =	ssyncset.done $0x0  }
0x70: {  	s29 =	simm.s32 $0x1400;
	[sflag:s19] =	ssyncadd.s32 $0xFFFFC000  }
0x71: {  	[spmem:s2] =	stream.indirect.scatter.add.f32 [tilespmem:s17], [sflag:$0x3], $0x80, s29, s16, $0xb8;
	[tilespmem:$0x1E400] =	vst v63  }
0x72: {  	_ =	swait.ge [sflag:s14], $0x4000  }
0x73: {  	[sflag:s14] =	ssyncset.done $0x0  }
0x74: {  	s30 =	simm.s32 $0x100;
	[sflag:s14] =	ssyncadd.s32 $0xFFFFC000  }
0x75: {  	[tilespmem:s17], [sflag:$0x1] =	stream.indirect.gather [hbm4b:s4+s16], $0x80, s30, s16, $0xb8;
	[tilespmem:$0x1E400] =	vst v63  }
0x76: {  	_ =	swait.ge [sflag:s20], $0x4000  }
0x77: {  	[sflag:s20] =	ssyncset.done $0x0  }
0x78: {  	s31 =	simm.s32 $0x1480;
	[sflag:s20] =	ssyncadd.s32 $0xFFFFC000  }
0x79: {  	[spmem:s2] =	stream.indirect.scatter.add.f32 [tilespmem:s18], [sflag:$0x3], $0x80, s31, s16, $0xb8;
	[tilespmem:$0x1E400] =	vst v63  }
0x7a: {  	_ =	swait.ge [sflag:s14], $0x4000  }
0x7b: {  	s25 =	simm.s32 $0x100;
	s26 =	simm.s32 $0x800;
	[sflag:s14] =	ssyncset.done $0x0  }
.LBB2_4:
0x7c: {  	s28 =	sadd.s32 $0x80, s25  }
0x7d: {  	[sflag:s14] =	ssyncadd.s32 $0xFFFFC000;
	s29 =	smov.u32 s26;
	s30 =	sadd.s32 $0x400, s26  }
0x7e: {  	[tilespmem:s18], [sflag:$0x2] =	stream.indirect.gather [hbm4b:s4+s16], $0x80, s28, s16, $0xb8;
	[tilespmem:$0x1E400] =	vst v63  }
0x7f: {  	p0 =	sne.s32 s26, $0x4800;
	_ =	swait.ge [sflag:s19], $0x4000  }
0x80: {  	[sflag:s19] =	ssyncset.done $0x0  }
0x81: {  	s26 =	sadd.s32 $0x1400, s25;
	[sflag:s19] =	ssyncadd.s32 $0xFFFFC000  }
0x82: {  	[spmem:s2] =	stream.indirect.scatter.add.f32 [tilespmem:s17], [sflag:$0x3], $0x80, s26, s16, $0xb8;
	[tilespmem:$0x1E400] =	vst v63  }
0x83: {  	_ =	swait.ge [sflag:s14], $0x4000  }
0x84: {  	[sflag:s14] =	ssyncset.done $0x0  }
0x85: {  	s26 =	sadd.s32 $0x100, s25;
	[sflag:s14] =	ssyncadd.s32 $0xFFFFC000  }
0x86: {  	[tilespmem:s17], [sflag:$0x1] =	stream.indirect.gather [hbm4b:s4+s16], $0x80, s26, s16, $0xb8;
	[tilespmem:$0x1E400] =	vst v63  }
0x87: {  	_ =	swait.ge [sflag:s20], $0x4000  }
.Ltmp1:
0x88: {  	[sflag:s20] =	ssyncset.done $0x0;
	(pc) =	sbr.rel @p0 .LBB2_4-.Ltmp1, $4  }
0x89: {  	s25 =	sadd.s32 $0x1480, s25;
	[sflag:s20] =	ssyncadd.s32 $0xFFFFC000  }
0x8a: {  	[spmem:s2] =	stream.indirect.scatter.add.f32 [tilespmem:s18], [sflag:$0x3], $0x80, s25, s16, $0xb8;
	[tilespmem:$0x1E400] =	vst v63  }
0x8b: {  	_ =	swait.ge [sflag:s14], $0x4000  }
0x8c: {  	s26 =	smov.u32 s30;
	s25 =	sshra.s32 s29, $0x2;
	[sflag:s14] =	ssyncset.done $0x0  }
0x8d: {  	s26 =	sadd.s32 $0x80, s25;
	[sflag:s14] =	ssyncadd.s32 $0xFFFFC000  }
0x8e: {  	[tilespmem:s18], [sflag:$0x2] =	stream.indirect.gather [hbm4b:s4+s16], $0x80, s26, s16, $0xb8;
	[tilespmem:$0x1E400] =	vst v63  }
0x8f: {  	_ =	swait.ge [sflag:s19], $0x4000  }
0x90: {  	[sflag:s19] =	ssyncset.done $0x0  }
0x91: {  	s29 =	sadd.s32 $0x1400, s25;
	[sflag:s19] =	ssyncadd.s32 $0xFFFFC000  }
0x92: {  	[spmem:s2] =	stream.indirect.scatter.add.f32 [tilespmem:s17], [sflag:$0x3], $0x80, s29, s16, $0xb8;
	[tilespmem:$0x1E400] =	vst v63  }
0x93: {  	_ =	swait.ge [sflag:s14], $0x4000  }
0x94: {  	[sflag:s14] =	ssyncset.done $0x0  }
0x95: {  	s30 =	sadd.s32 $0x100, s25;
	[sflag:s14] =	ssyncadd.s32 $0xFFFFC000  }
0x96: {  	[tilespmem:s17], [sflag:$0x1] =	stream.indirect.gather [hbm4b:s4+s16], $0x80, s30, s16, $0xb8;
	[tilespmem:$0x1E400] =	vst v63  }
0x97: {  	_ =	swait.ge [sflag:s20], $0x4000  }
0x98: {  	[sflag:s20] =	ssyncset.done $0x0  }
0x99: {  	s31 =	sadd.s32 $0x1480, s25;
	[sflag:s20] =	ssyncadd.s32 $0xFFFFC000  }
0x9a: {  	[spmem:s2] =	stream.indirect.scatter.add.f32 [tilespmem:s18], [sflag:$0x3], $0x80, s31, s16, $0xb8;
	[tilespmem:$0x1E400] =	vst v63  }
0x9b: {  	_ =	swait.ge [sflag:s14], $0x4000  }
0x9c: {  	[sflag:s14] =	ssyncset.done $0x0  }
0x9d: {  	[sflag:s14] =	ssyncadd.s32 $0xFFFFC000  }
0x9e: {  	[tilespmem:s18], [sflag:$0x2] =	stream.indirect.gather [hbm4b:s4+s16], $0x80, s21, s16, $0xb8;
	[tilespmem:$0x1E400] =	vst v63  }
0x9f: {  	_ =	swait.ge [sflag:s19], $0x4000  }
0xa0: {  	[sflag:s19] =	ssyncset.done $0x0  }
0xa1: {  	[sflag:s19] =	ssyncadd.s32 $0xFFFFC000  }
0xa2: {  	[spmem:s2] =	stream.indirect.scatter.add.f32 [tilespmem:s17], [sflag:$0x3], $0x80, s22, s16, $0xb8;
	[tilespmem:$0x1E400] =	vst v63  }
0xa3: {  	_ =	swait.ge [sflag:s14], $0x4000  }
0xa4: {  	[sflag:s14] =	ssyncset.done $0x0  }
0xa5: {  	[sflag:s14] =	ssyncadd.s32 $0xFFFFC000  }
0xa6: {  	_ =	swait.ge [sflag:s20], $0x4000  }
0xa7: {  	[sflag:s20] =	ssyncset.done $0x0  }
0xa8: {  	[sflag:s20] =	ssyncadd.s32 $0xFFFFC000  }
0xa9: {  	[spmem:s2] =	stream.indirect.scatter.add.f32 [tilespmem:s18], [sflag:$0x3], $0x80, s23, s16, $0xb8;
	[tilespmem:$0x1E400] =	vst v63  }
0xaa: {  	_ =	swait.ge [sflag:s14], $0x4000  }
0xab: {  	s24 =	sadd.s32 $0x1, s24;
	[sflag:s14] =	ssyncset.done $0x0  }
0xac: {  	p0 =	sne.s32 s24, s8;
	[sflag:s14] =	ssyncadd.s32 $0xFFFFC000  }
.Ltmp2:
0xad: {  	[bflag:$0x0] =	sbarrier.arrive $0xFFFF;
	(pc) =	sbr.rel @p0 .LBB2_1-.Ltmp2, $4  }
0xae: {  	[hbm:s7], [sflag:s6] =	dma.local [spmem:s13], $0x2780  }
0xaf: {  	_ =	swait.ge [sflag:s14], $0x2780  }
0xb0: {  	[sflag:s14] =	ssyncset.done $0x0  }
0xb1: {  	[sflag:s14] =	ssyncadd.s32 $0xFFFFD880  }
0xb2: {  	_ =	sfence.sel $0x180000  }
0xb3: {  	[bflag:$0x0] =	sbarrier.arrive $0xFFFF  }
0xb4: {  	p0 =	sne.s32 s1, $0x0;
	_ =	strace $0x90000050  }
0xb5: {  	s0 =	sadd.s32 @!p0 $0x100000, s0;
	[bflag:$0x2] =	sbarrier.arrive $0xFFFF  }
0xb6: {  	[sflag:s0] =	ssyncadd.tile.s32 @!p0 $0x1;
	_ =	shalt  }
.Lfunc_end2:
_tile_overlayer_lowered:
.L_overlay_start_2:
0xb7: {  	(tag) =	ssettag $0x2  }
0xb8: {  	s0 =	rddreg [dreg:$0x0];
	s2 =	stileid.u32  }
0xb9: {  	s1 =	rddreg [dreg:$0x1];
	p0 =	sne.s32 s2, $0x0  }
0xba: {  	s3 =	rddreg [dreg:$0x2];
	[bflag:$0x3] =	sbarrier.arrive $0xFFFF;
	s2 =	simm.s32 @!p0 $0x1C03  }
0xbb: {  	[timem:s3], [sflag:s2] =	dma.local @!p0 [hbm:s0], s1  }
0xbc: {  	s0 =	simm.s32 @!p0 $0x3  }
0xbd: {  	_ =	swait.ge @!p0 [sflag:s0], s1  }
0xbe: {  	s1 =	ssub.s32 @!p0 $0x0, s1;
	[sflag:s0] =	ssyncset.done @!p0 $0x0  }
0xbf: {  	[sflag:s0] =	ssyncadd.s32 @!p0 s1  }
0xc0: {  	[bflag:$0x3] =	sbarrier.arrive $0xFFFF  }
0xc1: {  	_ =	shalt  }

</sc_bundles>
